<compile_context>
chip_gen: v7x
topology: tpu7x:2x2x1
jax: 0.10.2.dev20260603
libtpu: 0.0.44.dev20260713+nightly
codegen_flags: <defaults>
</compile_context>

<pallas_src>
import jax
import jax.numpy as jnp
from jax import lax
from jax.experimental import pallas as pl
from jax.experimental.pallas import tpu as pltpu
from jax.experimental.pallas import tpu_sc as plsc

B, G, C, K, H = 32, 512, 128, 32, 256
TAU, ITERS = 0.1, 10

_D = 256
_CC = _D - C


def _perm_body(gf_ref, cc_ref, w1_ref, b1_ref, w2_ref, b2_ref,
               perm_ref, src_ref, tab_ref):
    b = pl.program_id(0)
    gf = gf_ref[0]
    h = jnp.maximum(
        jnp.dot(gf, w1_ref[...], preferred_element_type=jnp.float32) + b1_ref[...],
        0.0,
    )
    la = (
        jnp.dot(h, w2_ref[...], preferred_element_type=jnp.float32) + b2_ref[...]
    ) / TAU
    for _ in range(ITERS):
        m = jnp.max(la, axis=1, keepdims=True)
        la = la - (jnp.log(jnp.sum(jnp.exp(la - m), axis=1, keepdims=True)) + m)
        m = jnp.max(la, axis=0, keepdims=True)
        la = la - (jnp.log(jnp.sum(jnp.exp(la - m), axis=0, keepdims=True)) + m)
    P = jnp.exp(la)
    colids = lax.broadcasted_iota(jnp.int32, (G, G), 1)
    rowids = lax.broadcasted_iota(jnp.int32, (G, G), 0)
    rmax = jnp.max(P, axis=1, keepdims=True)
    perm = jnp.min(jnp.where(P == rmax, colids, G), axis=1)
    hit = perm[:, None] == colids
    inv = jnp.max(jnp.where(hit, rowids, -1), axis=0)
    winner = jnp.max(
        jnp.where(hit & (inv[None, :] == rowids), 1, 0), axis=1
    )
    lmask = (1 - winner).astype(jnp.float32)[:, None]
    umask = (inv < 0).astype(jnp.float32)[:, None]
    tri = (rowids >= colids).astype(jnp.float32)
    lrank = jnp.dot(tri, lmask, preferred_element_type=jnp.float32) - lmask
    urank = jnp.dot(tri, umask, preferred_element_type=jnp.float32) - umask
    pair = (
        (urank[:, 0][:, None] == lrank[:, 0][None, :])
        & (umask[:, 0][:, None] == 1.0)
        & (lmask[:, 0][None, :] == 1.0)
    )
    srcl = jnp.max(jnp.where(pair, colids, -1), axis=1)
    src = jnp.where(inv >= 0, inv, srcl)
    perm_ref[0, 0] = perm
    src_ref[0, 0] = b * G + src
    w = winner.astype(jnp.float32)[:, None]
    tab_ref[:, 0:C] = gf * w
    tab_ref[:, C:_D] = cc_ref[0] * w


def _perm_call(group_features, cc, W1, b1, W2, b2):
    return pl.pallas_call(
        _perm_body,
        grid=(B,),
        in_specs=[
            pl.BlockSpec((1, G, C), lambda b: (b, 0, 0)),
            pl.BlockSpec((1, G, _CC), lambda b: (b, 0, 0)),
            pl.BlockSpec((C, H), lambda b: (0, 0)),
            pl.BlockSpec((1, H), lambda b: (0, 0)),
            pl.BlockSpec((H, G), lambda b: (0, 0)),
            pl.BlockSpec((1, G), lambda b: (0, 0)),
        ],
        out_specs=[
            pl.BlockSpec((1, 1, G), lambda b: (b, 0, 0)),
            pl.BlockSpec((1, 1, G), lambda b: (b, 0, 0)),
            pl.BlockSpec((G, _D), lambda b: (b, 0)),
        ],
        out_shape=[
            jax.ShapeDtypeStruct((B, 1, G), jnp.int32),
            jax.ShapeDtypeStruct((B, 1, G), jnp.int32),
            jax.ShapeDtypeStruct((B * G, _D), jnp.float32),
        ],
    )(group_features, cc, W1, b1.reshape(1, H), W2, b2.reshape(1, G))


_NC, _NS = 2, 16
_CH = 64
_NCHUNK = G // _CH
_NBUF = 6


def _reorder_body(src_hbm, tab_hbm, ofeat, occ, idx_v, *rest):
    bufs, (gsem, ssem) = rest[:_NBUF], rest[_NBUF:]
    wid = lax.axis_index("s") * _NC + lax.axis_index("c")
    base = wid * G
    pltpu.sync_copy(src_hbm.at[pl.ds(base, G)], idx_v)

    def start_gather(c):
        return pltpu.async_copy(
            tab_hbm.at[idx_v.at[pl.ds(c * _CH, _CH)]], bufs[c % _NBUF], gsem
        )

    gathers = {c: start_gather(c) for c in range(min(_NBUF, _NCHUNK))}
    stores = {}
    for c in range(_NCHUNK):
        gathers.pop(c).wait()
        off = base + c * _CH
        buf = bufs[c % _NBUF]
        stores[c] = (
            pltpu.async_copy(buf.at[:, pl.ds(0, C)], ofeat.at[pl.ds(off, _CH)], ssem),
            pltpu.async_copy(buf.at[:, pl.ds(C, _CC)], occ.at[pl.ds(off, _CH)], ssem),
        )
        nxt = c + _NBUF
        if nxt < _NCHUNK:
            for h in stores.pop(nxt - _NBUF):
                h.wait()
            gathers[nxt] = start_gather(nxt)
    for hs in stores.values():
        for h in hs:
            h.wait()


def _reorder_call(*args):
    return pl.kernel(
        _reorder_body,
        out_type=(
            jax.ShapeDtypeStruct((B * G, C), jnp.float32),
            jax.ShapeDtypeStruct((B * G, _CC), jnp.float32),
        ),
        mesh=plsc.VectorSubcoreMesh(
            core_axis_name="c", subcore_axis_name="s", num_cores=_NC
        ),
        scratch_types=[
            pltpu.VMEM((G,), jnp.int32),
            *[pltpu.VMEM((_CH, _D), jnp.float32) for _ in range(_NBUF)],
            pltpu.SemaphoreType.DMA,
            pltpu.SemaphoreType.DMA,
        ],
    )(*args)


def kernel(center_coords, group_features, gruop_coords, W1, b1, W2, b2):
    cc = jnp.concatenate(
        [
            gruop_coords.reshape(B, G, K * 3),
            center_coords,
            jnp.zeros((B, G, _CC - K * 3 - 3), jnp.float32),
        ],
        axis=2,
    )
    perm, src, tab = _perm_call(group_features, cc, W1, b1, W2, b2)
    ofeat, occ = _reorder_call(src.reshape(B * G), tab)
    return (
        occ[:, K * 3 : K * 3 + 3].reshape(B, G, 3),
        ofeat.reshape(B, G, C),
        occ[:, : K * 3].reshape(B, G, K, 3),
        perm.reshape(B, G),
    )

# --- scband reference (transcript-rebuilt; emitter-appended) ---
"""Pipeline reference for scband-ordering-net-v4-efficient-75849122447996 (READ-ONLY COPY).

The authoritative reference and input builder live on the scoring server;
editing this copy changes nothing except your own understanding.
"""

import jax, jax.numpy as jnp
import numpy as np

B, G, C, K, H = 32, 512, 128, 32, 256
TAU, ITERS = 0.1, 10

def setup_inputs(seed: int = 0) -> dict:
    key = jax.random.key(seed)
    ks = jax.random.split(key, 8)
    center_coords = jax.random.normal(ks[0], (B, G, 3), dtype=jnp.float32)
    group_features = jax.random.normal(ks[1], (B, G, C), dtype=jnp.float32)
    gruop_coords = jax.random.normal(ks[2], (B, G, K, 3), dtype=jnp.float32)
    lim1 = float(np.sqrt(6.0 / (C + H)))
    lim2 = float(np.sqrt(6.0 / (H + G)))
    W1 = jax.random.uniform(ks[3], (C, H), dtype=jnp.float32, minval=-lim1, maxval=lim1)
    b1 = jnp.zeros((H,), dtype=jnp.float32)
    W2 = jax.random.uniform(ks[4], (H, G), dtype=jnp.float32, minval=-lim2, maxval=lim2)
    b2 = jnp.zeros((G,), dtype=jnp.float32)
    return {"center_coords": center_coords, "group_features": group_features, "gruop_coords": gruop_coords, "W1": W1, "b1": b1, "W2": W2, "b2": b2}

def reference(center_coords, group_features, gruop_coords, W1, b1, W2, b2):
    h = jnp.maximum(group_features @ W1 + b1, 0.0)
    perm_scores = h @ W2 + b2  # (B, G, G)
    log_alpha = perm_scores / TAU
    for _ in range(ITERS):
        log_alpha = log_alpha - jax.scipy.special.logsumexp(log_alpha, axis=-1, keepdims=True)
        log_alpha = log_alpha - jax.scipy.special.logsumexp(log_alpha, axis=-2, keepdims=True)
    P = jnp.exp(log_alpha)
    perm_indices = jnp.argmax(P, axis=-1)  # (B, G)
    batch_indices = jnp.broadcast_to(jnp.arange(B)[:, None], (B, G))
    reordered_center_coords = jnp.zeros_like(center_coords).at[batch_indices, perm_indices].set(center_coords)
    reordered_group_features = jnp.zeros_like(group_features).at[batch_indices, perm_indices].set(group_features)
    reordered_group_coords = jnp.zeros_like(gruop_coords).at[batch_indices, perm_indices].set(gruop_coords)
    return (reordered_center_coords, reordered_group_features, reordered_group_coords, perm_indices)

if __name__ == "__main__":
    import jax
    _d = setup_inputs()
    print(jax.jit(kernel)(*tuple(_d.values())))

</pallas_src>

<mosaic_0001>
#map = affine_map<(d0, d1) -> (0)>
#map1 = affine_map<(d0, d1) -> (0, 0)>
module attributes {stable_mosaic.version = 14 : i64} {
  func.func @_reorder_body(%arg0: i32, %arg1: i32, %arg2: memref<16384xi32, #tpu.memory_space<hbm>>, %arg3: memref<16384x256xf32, #tpu.memory_space<hbm>>, %arg4: memref<16384x128xf32, #tpu.memory_space<hbm>>, %arg5: memref<16384x128xf32, #tpu.memory_space<hbm>>, %arg6: memref<512xi32, #tpu.memory_space<vmem>>, %arg7: memref<64x256xf32, #tpu.memory_space<vmem>>, %arg8: memref<64x256xf32, #tpu.memory_space<vmem>>, %arg9: memref<64x256xf32, #tpu.memory_space<vmem>>, %arg10: memref<64x256xf32, #tpu.memory_space<vmem>>, %arg11: memref<64x256xf32, #tpu.memory_space<vmem>>, %arg12: memref<64x256xf32, #tpu.memory_space<vmem>>, %arg13: memref<!tpu.dma_semaphore, #tpu.memory_space<semaphore_mem>>, %arg14: memref<!tpu.dma_semaphore, #tpu.memory_space<semaphore_mem>>) attributes {dimension_semantics = [#tpu.dimension_semantics<core_parallel>, #tpu.dimension_semantics<subcore_parallel>], iteration_bounds = array<i64: 2, 16>, scalar_prefetch = 0 : i64, scratch_operands = 9 : i64, tpu.core_type = #tpu.core_type<sc_vector_subcore>, window_params = [{transform_indices = #map}, {transform_indices = #map1}, {transform_indices = #map1}, {transform_indices = #map1}]} {
    %mul3A = arith.constant 2 : i32
    %mul3A_0 = arith.muli %arg1, %mul3A : i32
    %add3A = arith.addi %mul3A_0, %arg0 : i32
    %mul3A_1 = arith.constant 512 : i32
    %mul3A_2 = arith.muli %add3A, %mul3A_1 : i32
    "tpu.region"() ({
      %run_scoped3A = tpu.sem_alloc : memref<!tpu.dma_semaphore, #tpu.memory_space<semaphore_mem>>
      %dma_start3A_417 = tpu.memref_slice %arg2[%mul3A_2] : memref<16384xi32, #tpu.memory_space<hbm>> -> memref<512xi32, #tpu.memory_space<hbm>>
      %dma_start3A_418 = tpu.memref_slice %arg2[%mul3A_2] : memref<16384xi32, #tpu.memory_space<hbm>> -> memref<512xi32, #tpu.memory_space<hbm>>
      tpu.enqueue_dma source(%dma_start3A_418 : memref<512xi32, #tpu.memory_space<hbm>>) target(%arg6 : memref<512xi32, #tpu.memory_space<vmem>>) target_semaphore(%run_scoped3A : memref<!tpu.dma_semaphore, #tpu.memory_space<semaphore_mem>>)
      %dma_wait3A_419 = tpu.memref_slice %arg2[%mul3A_2] : memref<16384xi32, #tpu.memory_space<hbm>> -> memref<512xi32, #tpu.memory_space<hbm>>
      %dma_wait3A_420 = tpu.memref_slice %arg2[%mul3A_2] : memref<16384xi32, #tpu.memory_space<hbm>> -> memref<512xi32, #tpu.memory_space<hbm>>
      tpu.wait_dma2 semaphore(%run_scoped3A : memref<!tpu.dma_semaphore, #tpu.memory_space<semaphore_mem>>) src(%dma_wait3A_420 : memref<512xi32, #tpu.memory_space<hbm>>) dst(%arg6 : memref<512xi32, #tpu.memory_space<vmem>>)
      tpu.yield
    }) : () -> ()
    %dma_start3A = arith.constant 0 : i32
    %dma_start3A_3 = tpu.memref_slice %arg6[%dma_start3A] : memref<512xi32, #tpu.memory_space<vmem>> -> memref<64xi32, #tpu.memory_space<vmem>>
    %dma_start3A_4 = arith.constant 0 : i32
    %dma_start3A_5 = arith.constant 0 : i32
    %dma_start3A_6 = tpu.memref_slice %arg3[%dma_start3A_4, %dma_start3A_5] : memref<16384x256xf32, #tpu.memory_space<hbm>> -> memref<16384x256xf32, #tpu.memory_space<hbm>>
    tpu.enqueue_indirect_dma source(%dma_start3A_6 : memref<16384x256xf32, #tpu.memory_space<hbm>>) target(%arg7 : memref<64x256xf32, #tpu.memory_space<vmem>>) offsets(%dma_start3A_3 : memref<64xi32, #tpu.memory_space<vmem>>) semaphore(%arg13 : memref<!tpu.dma_semaphore, #tpu.memory_space<semaphore_mem>>)
    %dma_start3A_7 = arith.constant 64 : i32
    %dma_start3A_8 = tpu.memref_slice %arg6[%dma_start3A_7] : memref<512xi32, #tpu.memory_space<vmem>> -> memref<64xi32, #tpu.memory_space<vmem>>
    %dma_start3A_9 = arith.constant 0 : i32
    %dma_start3A_10 = arith.constant 0 : i32
    %dma_start3A_11 = tpu.memref_slice %arg3[%dma_start3A_9, %dma_start3A_10] : memref<16384x256xf32, #tpu.memory_space<hbm>> -> memref<16384x256xf32, #tpu.memory_space<hbm>>
    tpu.enqueue_indirect_dma source(%dma_start3A_11 : memref<16384x256xf32, #tpu.memory_space<hbm>>) target(%arg8 : memref<64x256xf32, #tpu.memory_space<vmem>>) offsets(%dma_start3A_8 : memref<64xi32, #tpu.memory_space<vmem>>) semaphore(%arg13 : memref<!tpu.dma_semaphore, #tpu.memory_space<semaphore_mem>>)
    %dma_start3A_12 = arith.constant 128 : i32
    %dma_start3A_13 = tpu.memref_slice %arg6[%dma_start3A_12] : memref<512xi32, #tpu.memory_space<vmem>> -> memref<64xi32, #tpu.memory_space<vmem>>
    %dma_start3A_14 = arith.constant 0 : i32
    %dma_start3A_15 = arith.constant 0 : i32
    %dma_start3A_16 = tpu.memref_slice %arg3[%dma_start3A_14, %dma_start3A_15] : memref<16384x256xf32, #tpu.memory_space<hbm>> -> memref<16384x256xf32, #tpu.memory_space<hbm>>
    tpu.enqueue_indirect_dma source(%dma_start3A_16 : memref<16384x256xf32, #tpu.memory_space<hbm>>) target(%arg9 : memref<64x256xf32, #tpu.memory_space<vmem>>) offsets(%dma_start3A_13 : memref<64xi32, #tpu.memory_space<vmem>>) semaphore(%arg13 : memref<!tpu.dma_semaphore, #tpu.memory_space<semaphore_mem>>)
    %dma_start3A_17 = arith.constant 192 : i32
    %dma_start3A_18 = tpu.memref_slice %arg6[%dma_start3A_17] : memref<512xi32, #tpu.memory_space<vmem>> -> memref<64xi32, #tpu.memory_space<vmem>>
    %dma_start3A_19 = arith.constant 0 : i32
    %dma_start3A_20 = arith.constant 0 : i32
    %dma_start3A_21 = tpu.memref_slice %arg3[%dma_start3A_19, %dma_start3A_20] : memref<16384x256xf32, #tpu.memory_space<hbm>> -> memref<16384x256xf32, #tpu.memory_space<hbm>>
    tpu.enqueue_indirect_dma source(%dma_start3A_21 : memref<16384x256xf32, #tpu.memory_space<hbm>>) target(%arg10 : memref<64x256xf32, #tpu.memory_space<vmem>>) offsets(%dma_start3A_18 : memref<64xi32, #tpu.memory_space<vmem>>) semaphore(%arg13 : memref<!tpu.dma_semaphore, #tpu.memory_space<semaphore_mem>>)
    %dma_start3A_22 = arith.constant 256 : i32
    %dma_start3A_23 = tpu.memref_slice %arg6[%dma_start3A_22] : memref<512xi32, #tpu.memory_space<vmem>> -> memref<64xi32, #tpu.memory_space<vmem>>
    %dma_start3A_24 = arith.constant 0 : i32
    %dma_start3A_25 = arith.constant 0 : i32
    %dma_start3A_26 = tpu.memref_slice %arg3[%dma_start3A_24, %dma_start3A_25] : memref<16384x256xf32, #tpu.memory_space<hbm>> -> memref<16384x256xf32, #tpu.memory_space<hbm>>
    tpu.enqueue_indirect_dma source(%dma_start3A_26 : memref<16384x256xf32, #tpu.memory_space<hbm>>) target(%arg11 : memref<64x256xf32, #tpu.memory_space<vmem>>) offsets(%dma_start3A_23 : memref<64xi32, #tpu.memory_space<vmem>>) semaphore(%arg13 : memref<!tpu.dma_semaphore, #tpu.memory_space<semaphore_mem>>)
    %dma_start3A_27 = arith.constant 320 : i32
    %dma_start3A_28 = tpu.memref_slice %arg6[%dma_start3A_27] : memref<512xi32, #tpu.memory_space<vmem>> -> memref<64xi32, #tpu.memory_space<vmem>>
    %dma_start3A_29 = arith.constant 0 : i32
    %dma_start3A_30 = arith.constant 0 : i32
    %dma_start3A_31 = tpu.memref_slice %arg3[%dma_start3A_29, %dma_start3A_30] : memref<16384x256xf32, #tpu.memory_space<hbm>> -> memref<16384x256xf32, #tpu.memory_space<hbm>>
    tpu.enqueue_indirect_dma source(%dma_start3A_31 : memref<16384x256xf32, #tpu.memory_space<hbm>>) target(%arg12 : memref<64x256xf32, #tpu.memory_space<vmem>>) offsets(%dma_start3A_28 : memref<64xi32, #tpu.memory_space<vmem>>) semaphore(%arg13 : memref<!tpu.dma_semaphore, #tpu.memory_space<semaphore_mem>>)
    %dma_wait3A = arith.constant 0 : i32
    %dma_wait3A_32 = tpu.memref_slice %arg6[%dma_wait3A] : memref<512xi32, #tpu.memory_space<vmem>> -> memref<64xi32, #tpu.memory_space<vmem>>
    %dma_wait3A_33 = arith.constant 0 : i32
    %dma_wait3A_34 = arith.constant 0 : i32
    %dma_wait3A_35 = tpu.memref_slice %arg3[%dma_wait3A_33, %dma_wait3A_34] : memref<16384x256xf32, #tpu.memory_space<hbm>> -> memref<16384x256xf32, #tpu.memory_space<hbm>>
    tpu.wait_indirect_dma semaphore(%arg13 : memref<!tpu.dma_semaphore, #tpu.memory_space<semaphore_mem>>) src(%dma_wait3A_35 : memref<16384x256xf32, #tpu.memory_space<hbm>>) dst(%arg7 : memref<64x256xf32, #tpu.memory_space<vmem>>)
    %add3A_36 = arith.constant 0 : i32
    %add3A_37 = arith.addi %mul3A_2, %add3A_36 : i32
    %dma_start3A_38 = arith.constant 0 : i32
    %dma_start3A_39 = arith.constant 0 : i32
    %dma_start3A_40 = tpu.memref_slice %arg7[%dma_start3A_38, %dma_start3A_39] : memref<64x256xf32, #tpu.memory_space<vmem>> -> memref<64x128xf32, #tpu.memory_space<vmem>>
    %dma_start3A_41 = arith.constant 0 : i32
    %dma_start3A_42 = tpu.memref_slice %arg4[%add3A_37, %dma_start3A_41] : memref<16384x128xf32, #tpu.memory_space<hbm>> -> memref<64x128xf32, #tpu.memory_space<hbm>>
    %dma_start3A_43 = arith.constant 0 : i32
    %dma_start3A_44 = tpu.memref_slice %arg4[%add3A_37, %dma_start3A_43] : memref<16384x128xf32, #tpu.memory_space<hbm>> -> memref<64x128xf32, #tpu.memory_space<hbm>>
    %dma_start3A_45 = arith.constant 0 : i32
    %dma_start3A_46 = arith.constant 0 : i32
    %dma_start3A_47 = tpu.memref_slice %arg7[%dma_start3A_45, %dma_start3A_46] : memref<64x256xf32, #tpu.memory_space<vmem>> -> memref<64x128xf32, #tpu.memory_space<vmem>>
    tpu.enqueue_dma source(%dma_start3A_47 : memref<64x128xf32, #tpu.memory_space<vmem>>) target(%dma_start3A_44 : memref<64x128xf32, #tpu.memory_space<hbm>>) target_semaphore(%arg14 : memref<!tpu.dma_semaphore, #tpu.memory_space<semaphore_mem>>)
    %dma_start3A_48 = arith.constant 0 : i32
    %dma_start3A_49 = arith.constant 128 : i32
    %dma_start3A_50 = tpu.memref_slice %arg7[%dma_start3A_48, %dma_start3A_49] : memref<64x256xf32, #tpu.memory_space<vmem>> -> memref<64x128xf32, #tpu.memory_space<vmem>>
    %dma_start3A_51 = arith.constant 0 : i32
    %dma_start3A_52 = tpu.memref_slice %arg5[%add3A_37, %dma_start3A_51] : memref<16384x128xf32, #tpu.memory_space<hbm>> -> memref<64x128xf32, #tpu.memory_space<hbm>>
    %dma_start3A_53 = arith.constant 0 : i32
    %dma_start3A_54 = tpu.memref_slice %arg5[%add3A_37, %dma_start3A_53] : memref<16384x128xf32, #tpu.memory_space<hbm>> -> memref<64x128xf32, #tpu.memory_space<hbm>>
    %dma_start3A_55 = arith.constant 0 : i32
    %dma_start3A_56 = arith.constant 128 : i32
    %dma_start3A_57 = tpu.memref_slice %arg7[%dma_start3A_55, %dma_start3A_56] : memref<64x256xf32, #tpu.memory_space<vmem>> -> memref<64x128xf32, #tpu.memory_space<vmem>>
    tpu.enqueue_dma source(%dma_start3A_57 : memref<64x128xf32, #tpu.memory_space<vmem>>) target(%dma_start3A_54 : memref<64x128xf32, #tpu.memory_space<hbm>>) target_semaphore(%arg14 : memref<!tpu.dma_semaphore, #tpu.memory_space<semaphore_mem>>)
    %dma_wait3A_58 = arith.constant 0 : i32
    %dma_wait3A_59 = arith.constant 0 : i32
    %dma_wait3A_60 = tpu.memref_slice %arg7[%dma_wait3A_58, %dma_wait3A_59] : memref<64x256xf32, #tpu.memory_space<vmem>> -> memref<64x128xf32, #tpu.memory_space<vmem>>
    %dma_wait3A_61 = arith.constant 0 : i32
    %dma_wait3A_62 = tpu.memref_slice %arg4[%add3A_37, %dma_wait3A_61] : memref<16384x128xf32, #tpu.memory_space<hbm>> -> memref<64x128xf32, #tpu.memory_space<hbm>>
    %dma_wait3A_63 = arith.constant 0 : i32
    %dma_wait3A_64 = tpu.memref_slice %arg4[%add3A_37, %dma_wait3A_63] : memref<16384x128xf32, #tpu.memory_space<hbm>> -> memref<64x128xf32, #tpu.memory_space<hbm>>
    %dma_wait3A_65 = arith.constant 0 : i32
    %dma_wait3A_66 = arith.constant 0 : i32
    %dma_wait3A_67 = tpu.memref_slice %arg7[%dma_wait3A_65, %dma_wait3A_66] : memref<64x256xf32, #tpu.memory_space<vmem>> -> memref<64x128xf32, #tpu.memory_space<vmem>>
    tpu.wait_dma2 semaphore(%arg14 : memref<!tpu.dma_semaphore, #tpu.memory_space<semaphore_mem>>) src(%dma_wait3A_67 : memref<64x128xf32, #tpu.memory_space<vmem>>) dst(%dma_wait3A_64 : memref<64x128xf32, #tpu.memory_space<hbm>>)
    %dma_wait3A_68 = arith.constant 0 : i32
    %dma_wait3A_69 = arith.constant 128 : i32
    %dma_wait3A_70 = tpu.memref_slice %arg7[%dma_wait3A_68, %dma_wait3A_69] : memref<64x256xf32, #tpu.memory_space<vmem>> -> memref<64x128xf32, #tpu.memory_space<vmem>>
    %dma_wait3A_71 = arith.constant 0 : i32
    %dma_wait3A_72 = tpu.memref_slice %arg5[%add3A_37, %dma_wait3A_71] : memref<16384x128xf32, #tpu.memory_space<hbm>> -> memref<64x128xf32, #tpu.memory_space<hbm>>
    %dma_wait3A_73 = arith.constant 0 : i32
    %dma_wait3A_74 = tpu.memref_slice %arg5[%add3A_37, %dma_wait3A_73] : memref<16384x128xf32, #tpu.memory_space<hbm>> -> memref<64x128xf32, #tpu.memory_space<hbm>>
    %dma_wait3A_75 = arith.constant 0 : i32
    %dma_wait3A_76 = arith.constant 128 : i32
    %dma_wait3A_77 = tpu.memref_slice %arg7[%dma_wait3A_75, %dma_wait3A_76] : memref<64x256xf32, #tpu.memory_space<vmem>> -> memref<64x128xf32, #tpu.memory_space<vmem>>
    tpu.wait_dma2 semaphore(%arg14 : memref<!tpu.dma_semaphore, #tpu.memory_space<semaphore_mem>>) src(%dma_wait3A_77 : memref<64x128xf32, #tpu.memory_space<vmem>>) dst(%dma_wait3A_74 : memref<64x128xf32, #tpu.memory_space<hbm>>)
    %dma_start3A_78 = arith.constant 384 : i32
    %dma_start3A_79 = tpu.memref_slice %arg6[%dma_start3A_78] : memref<512xi32, #tpu.memory_space<vmem>> -> memref<64xi32, #tpu.memory_space<vmem>>
    %dma_start3A_80 = arith.constant 0 : i32
    %dma_start3A_81 = arith.constant 0 : i32
    %dma_start3A_82 = tpu.memref_slice %arg3[%dma_start3A_80, %dma_start3A_81] : memref<16384x256xf32, #tpu.memory_space<hbm>> -> memref<16384x256xf32, #tpu.memory_space<hbm>>
    tpu.enqueue_indirect_dma source(%dma_start3A_82 : memref<16384x256xf32, #tpu.memory_space<hbm>>) target(%arg7 : memref<64x256xf32, #tpu.memory_space<vmem>>) offsets(%dma_start3A_79 : memref<64xi32, #tpu.memory_space<vmem>>) semaphore(%arg13 : memref<!tpu.dma_semaphore, #tpu.memory_space<semaphore_mem>>)
    %dma_wait3A_83 = arith.constant 64 : i32
    %dma_wait3A_84 = tpu.memref_slice %arg6[%dma_wait3A_83] : memref<512xi32, #tpu.memory_space<vmem>> -> memref<64xi32, #tpu.memory_space<vmem>>
    %dma_wait3A_85 = arith.constant 0 : i32
    %dma_wait3A_86 = arith.constant 0 : i32
    %dma_wait3A_87 = tpu.memref_slice %arg3[%dma_wait3A_85, %dma_wait3A_86] : memref<16384x256xf32, #tpu.memory_space<hbm>> -> memref<16384x256xf32, #tpu.memory_space<hbm>>
    tpu.wait_indirect_dma semaphore(%arg13 : memref<!tpu.dma_semaphore, #tpu.memory_space<semaphore_mem>>) src(%dma_wait3A_87 : memref<16384x256xf32, #tpu.memory_space<hbm>>) dst(%arg8 : memref<64x256xf32, #tpu.memory_space<vmem>>)
    %add3A_88 = arith.constant 64 : i32
    %add3A_89 = arith.addi %mul3A_2, %add3A_88 : i32
    %dma_start3A_90 = arith.constant 0 : i32
    %dma_start3A_91 = arith.constant 0 : i32
    %dma_start3A_92 = tpu.memref_slice %arg8[%dma_start3A_90, %dma_start3A_91] : memref<64x256xf32, #tpu.memory_space<vmem>> -> memref<64x128xf32, #tpu.memory_space<vmem>>
    %dma_start3A_93 = arith.constant 0 : i32
    %dma_start3A_94 = tpu.memref_slice %arg4[%add3A_89, %dma_start3A_93] : memref<16384x128xf32, #tpu.memory_space<hbm>> -> memref<64x128xf32, #tpu.memory_space<hbm>>
    %dma_start3A_95 = arith.constant 0 : i32
    %dma_start3A_96 = tpu.memref_slice %arg4[%add3A_89, %dma_start3A_95] : memref<16384x128xf32, #tpu.memory_space<hbm>> -> memref<64x128xf32, #tpu.memory_space<hbm>>
    %dma_start3A_97 = arith.constant 0 : i32
    %dma_start3A_98 = arith.constant 0 : i32
    %dma_start3A_99 = tpu.memref_slice %arg8[%dma_start3A_97, %dma_start3A_98] : memref<64x256xf32, #tpu.memory_space<vmem>> -> memref<64x128xf32, #tpu.memory_space<vmem>>
    tpu.enqueue_dma source(%dma_start3A_99 : memref<64x128xf32, #tpu.memory_space<vmem>>) target(%dma_start3A_96 : memref<64x128xf32, #tpu.memory_space<hbm>>) target_semaphore(%arg14 : memref<!tpu.dma_semaphore, #tpu.memory_space<semaphore_mem>>)
    %dma_start3A_100 = arith.constant 0 : i32
    %dma_start3A_101 = arith.constant 128 : i32
    %dma_start3A_102 = tpu.memref_slice %arg8[%dma_start3A_100, %dma_start3A_101] : memref<64x256xf32, #tpu.memory_space<vmem>> -> memref<64x128xf32, #tpu.memory_space<vmem>>
    %dma_start3A_103 = arith.constant 0 : i32
    %dma_start3A_104 = tpu.memref_slice %arg5[%add3A_89, %dma_start3A_103] : memref<16384x128xf32, #tpu.memory_space<hbm>> -> memref<64x128xf32, #tpu.memory_space<hbm>>
    %dma_start3A_105 = arith.constant 0 : i32
    %dma_start3A_106 = tpu.memref_slice %arg5[%add3A_89, %dma_start3A_105] : memref<16384x128xf32, #tpu.memory_space<hbm>> -> memref<64x128xf32, #tpu.memory_space<hbm>>
    %dma_start3A_107 = arith.constant 0 : i32
    %dma_start3A_108 = arith.constant 128 : i32
    %dma_start3A_109 = tpu.memref_slice %arg8[%dma_start3A_107, %dma_start3A_108] : memref<64x256xf32, #tpu.memory_space<vmem>> -> memref<64x128xf32, #tpu.memory_space<vmem>>
    tpu.enqueue_dma source(%dma_start3A_109 : memref<64x128xf32, #tpu.memory_space<vmem>>) target(%dma_start3A_106 : memref<64x128xf32, #tpu.memory_space<hbm>>) target_semaphore(%arg14 : memref<!tpu.dma_semaphore, #tpu.memory_space<semaphore_mem>>)
    %dma_wait3A_110 = arith.constant 0 : i32
    %dma_wait3A_111 = arith.constant 0 : i32
    %dma_wait3A_112 = tpu.memref_slice %arg8[%dma_wait3A_110, %dma_wait3A_111] : memref<64x256xf32, #tpu.memory_space<vmem>> -> memref<64x128xf32, #tpu.memory_space<vmem>>
    %dma_wait3A_113 = arith.constant 0 : i32
    %dma_wait3A_114 = tpu.memref_slice %arg4[%add3A_89, %dma_wait3A_113] : memref<16384x128xf32, #tpu.memory_space<hbm>> -> memref<64x128xf32, #tpu.memory_space<hbm>>
    %dma_wait3A_115 = arith.constant 0 : i32
    %dma_wait3A_116 = tpu.memref_slice %arg4[%add3A_89, %dma_wait3A_115] : memref<16384x128xf32, #tpu.memory_space<hbm>> -> memref<64x128xf32, #tpu.memory_space<hbm>>
    %dma_wait3A_117 = arith.constant 0 : i32
    %dma_wait3A_118 = arith.constant 0 : i32
    %dma_wait3A_119 = tpu.memref_slice %arg8[%dma_wait3A_117, %dma_wait3A_118] : memref<64x256xf32, #tpu.memory_space<vmem>> -> memref<64x128xf32, #tpu.memory_space<vmem>>
    tpu.wait_dma2 semaphore(%arg14 : memref<!tpu.dma_semaphore, #tpu.memory_space<semaphore_mem>>) src(%dma_wait3A_119 : memref<64x128xf32, #tpu.memory_space<vmem>>) dst(%dma_wait3A_116 : memref<64x128xf32, #tpu.memory_space<hbm>>)
    %dma_wait3A_120 = arith.constant 0 : i32
    %dma_wait3A_121 = arith.constant 128 : i32
    %dma_wait3A_122 = tpu.memref_slice %arg8[%dma_wait3A_120, %dma_wait3A_121] : memref<64x256xf32, #tpu.memory_space<vmem>> -> memref<64x128xf32, #tpu.memory_space<vmem>>
    %dma_wait3A_123 = arith.constant 0 : i32
    %dma_wait3A_124 = tpu.memref_slice %arg5[%add3A_89, %dma_wait3A_123] : memref<16384x128xf32, #tpu.memory_space<hbm>> -> memref<64x128xf32, #tpu.memory_space<hbm>>
    %dma_wait3A_125 = arith.constant 0 : i32
    %dma_wait3A_126 = tpu.memref_slice %arg5[%add3A_89, %dma_wait3A_125] : memref<16384x128xf32, #tpu.memory_space<hbm>> -> memref<64x128xf32, #tpu.memory_space<hbm>>
    %dma_wait3A_127 = arith.constant 0 : i32
    %dma_wait3A_128 = arith.constant 128 : i32
    %dma_wait3A_129 = tpu.memref_slice %arg8[%dma_wait3A_127, %dma_wait3A_128] : memref<64x256xf32, #tpu.memory_space<vmem>> -> memref<64x128xf32, #tpu.memory_space<vmem>>
    tpu.wait_dma2 semaphore(%arg14 : memref<!tpu.dma_semaphore, #tpu.memory_space<semaphore_mem>>) src(%dma_wait3A_129 : memref<64x128xf32, #tpu.memory_space<vmem>>) dst(%dma_wait3A_126 : memref<64x128xf32, #tpu.memory_space<hbm>>)
    %dma_start3A_130 = arith.constant 448 : i32
    %dma_start3A_131 = tpu.memref_slice %arg6[%dma_start3A_130] : memref<512xi32, #tpu.memory_space<vmem>> -> memref<64xi32, #tpu.memory_space<vmem>>
    %dma_start3A_132 = arith.constant 0 : i32
    %dma_start3A_133 = arith.constant 0 : i32
    %dma_start3A_134 = tpu.memref_slice %arg3[%dma_start3A_132, %dma_start3A_133] : memref<16384x256xf32, #tpu.memory_space<hbm>> -> memref<16384x256xf32, #tpu.memory_space<hbm>>
    tpu.enqueue_indirect_dma source(%dma_start3A_134 : memref<16384x256xf32, #tpu.memory_space<hbm>>) target(%arg8 : memref<64x256xf32, #tpu.memory_space<vmem>>) offsets(%dma_start3A_131 : memref<64xi32, #tpu.memory_space<vmem>>) semaphore(%arg13 : memref<!tpu.dma_semaphore, #tpu.memory_space<semaphore_mem>>)
    %dma_wait3A_135 = arith.constant 128 : i32
    %dma_wait3A_136 = tpu.memref_slice %arg6[%dma_wait3A_135] : memref<512xi32, #tpu.memory_space<vmem>> -> memref<64xi32, #tpu.memory_space<vmem>>
    %dma_wait3A_137 = arith.constant 0 : i32
    %dma_wait3A_138 = arith.constant 0 : i32
    %dma_wait3A_139 = tpu.memref_slice %arg3[%dma_wait3A_137, %dma_wait3A_138] : memref<16384x256xf32, #tpu.memory_space<hbm>> -> memref<16384x256xf32, #tpu.memory_space<hbm>>
    tpu.wait_indirect_dma semaphore(%arg13 : memref<!tpu.dma_semaphore, #tpu.memory_space<semaphore_mem>>) src(%dma_wait3A_139 : memref<16384x256xf32, #tpu.memory_space<hbm>>) dst(%arg9 : memref<64x256xf32, #tpu.memory_space<vmem>>)
    %add3A_140 = arith.constant 128 : i32
    %add3A_141 = arith.addi %mul3A_2, %add3A_140 : i32
    %dma_start3A_142 = arith.constant 0 : i32
    %dma_start3A_143 = arith.constant 0 : i32
    %dma_start3A_144 = tpu.memref_slice %arg9[%dma_start3A_142, %dma_start3A_143] : memref<64x256xf32, #tpu.memory_space<vmem>> -> memref<64x128xf32, #tpu.memory_space<vmem>>
    %dma_start3A_145 = arith.constant 0 : i32
    %dma_start3A_146 = tpu.memref_slice %arg4[%add3A_141, %dma_start3A_145] : memref<16384x128xf32, #tpu.memory_space<hbm>> -> memref<64x128xf32, #tpu.memory_space<hbm>>
    %dma_start3A_147 = arith.constant 0 : i32
    %dma_start3A_148 = tpu.memref_slice %arg4[%add3A_141, %dma_start3A_147] : memref<16384x128xf32, #tpu.memory_space<hbm>> -> memref<64x128xf32, #tpu.memory_space<hbm>>
    %dma_start3A_149 = arith.constant 0 : i32
    %dma_start3A_150 = arith.constant 0 : i32
    %dma_start3A_151 = tpu.memref_slice %arg9[%dma_start3A_149, %dma_start3A_150] : memref<64x256xf32, #tpu.memory_space<vmem>> -> memref<64x128xf32, #tpu.memory_space<vmem>>
    tpu.enqueue_dma source(%dma_start3A_151 : memref<64x128xf32, #tpu.memory_space<vmem>>) target(%dma_start3A_148 : memref<64x128xf32, #tpu.memory_space<hbm>>) target_semaphore(%arg14 : memref<!tpu.dma_semaphore, #tpu.memory_space<semaphore_mem>>)
    %dma_start3A_152 = arith.constant 0 : i32
    %dma_start3A_153 = arith.constant 128 : i32
    %dma_start3A_154 = tpu.memref_slice %arg9[%dma_start3A_152, %dma_start3A_153] : memref<64x256xf32, #tpu.memory_space<vmem>> -> memref<64x128xf32, #tpu.memory_space<vmem>>
    %dma_start3A_155 = arith.constant 0 : i32
    %dma_start3A_156 = tpu.memref_slice %arg5[%add3A_141, %dma_start3A_155] : memref<16384x128xf32, #tpu.memory_space<hbm>> -> memref<64x128xf32, #tpu.memory_space<hbm>>
    %dma_start3A_157 = arith.constant 0 : i32
    %dma_start3A_158 = tpu.memref_slice %arg5[%add3A_141, %dma_start3A_157] : memref<16384x128xf32, #tpu.memory_space<hbm>> -> memref<64x128xf32, #tpu.memory_space<hbm>>
    %dma_start3A_159 = arith.constant 0 : i32
    %dma_start3A_160 = arith.constant 128 : i32
    %dma_start3A_161 = tpu.memref_slice %arg9[%dma_start3A_159, %dma_start3A_160] : memref<64x256xf32, #tpu.memory_space<vmem>> -> memref<64x128xf32, #tpu.memory_space<vmem>>
    tpu.enqueue_dma source(%dma_start3A_161 : memref<64x128xf32, #tpu.memory_space<vmem>>) target(%dma_start3A_158 : memref<64x128xf32, #tpu.memory_space<hbm>>) target_semaphore(%arg14 : memref<!tpu.dma_semaphore, #tpu.memory_space<semaphore_mem>>)
    %dma_wait3A_162 = arith.constant 192 : i32
    %dma_wait3A_163 = tpu.memref_slice %arg6[%dma_wait3A_162] : memref<512xi32, #tpu.memory_space<vmem>> -> memref<64xi32, #tpu.memory_space<vmem>>
    %dma_wait3A_164 = arith.constant 0 : i32
    %dma_wait3A_165 = arith.constant 0 : i32
    %dma_wait3A_166 = tpu.memref_slice %arg3[%dma_wait3A_164, %dma_wait3A_165] : memref<16384x256xf32, #tpu.memory_space<hbm>> -> memref<16384x256xf32, #tpu.memory_space<hbm>>
    tpu.wait_indirect_dma semaphore(%arg13 : memref<!tpu.dma_semaphore, #tpu.memory_space<semaphore_mem>>) src(%dma_wait3A_166 : memref<16384x256xf32, #tpu.memory_space<hbm>>) dst(%arg10 : memref<64x256xf32, #tpu.memory_space<vmem>>)
    %add3A_167 = arith.constant 192 : i32
    %add3A_168 = arith.addi %mul3A_2, %add3A_167 : i32
    %dma_start3A_169 = arith.constant 0 : i32
    %dma_start3A_170 = arith.constant 0 : i32
    %dma_start3A_171 = tpu.memref_slice %arg10[%dma_start3A_169, %dma_start3A_170] : memref<64x256xf32, #tpu.memory_space<vmem>> -> memref<64x128xf32, #tpu.memory_space<vmem>>
    %dma_start3A_172 = arith.constant 0 : i32
    %dma_start3A_173 = tpu.memref_slice %arg4[%add3A_168, %dma_start3A_172] : memref<16384x128xf32, #tpu.memory_space<hbm>> -> memref<64x128xf32, #tpu.memory_space<hbm>>
    %dma_start3A_174 = arith.constant 0 : i32
    %dma_start3A_175 = tpu.memref_slice %arg4[%add3A_168, %dma_start3A_174] : memref<16384x128xf32, #tpu.memory_space<hbm>> -> memref<64x128xf32, #tpu.memory_space<hbm>>
    %dma_start3A_176 = arith.constant 0 : i32
    %dma_start3A_177 = arith.constant 0 : i32
    %dma_start3A_178 = tpu.memref_slice %arg10[%dma_start3A_176, %dma_start3A_177] : memref<64x256xf32, #tpu.memory_space<vmem>> -> memref<64x128xf32, #tpu.memory_space<vmem>>
    tpu.enqueue_dma source(%dma_start3A_178 : memref<64x128xf32, #tpu.memory_space<vmem>>) target(%dma_start3A_175 : memref<64x128xf32, #tpu.memory_space<hbm>>) target_semaphore(%arg14 : memref<!tpu.dma_semaphore, #tpu.memory_space<semaphore_mem>>)
    %dma_start3A_179 = arith.constant 0 : i32
    %dma_start3A_180 = arith.constant 128 : i32
    %dma_start3A_181 = tpu.memref_slice %arg10[%dma_start3A_179, %dma_start3A_180] : memref<64x256xf32, #tpu.memory_space<vmem>> -> memref<64x128xf32, #tpu.memory_space<vmem>>
    %dma_start3A_182 = arith.constant 0 : i32
    %dma_start3A_183 = tpu.memref_slice %arg5[%add3A_168, %dma_start3A_182] : memref<16384x128xf32, #tpu.memory_space<hbm>> -> memref<64x128xf32, #tpu.memory_space<hbm>>
    %dma_start3A_184 = arith.constant 0 : i32
    %dma_start3A_185 = tpu.memref_slice %arg5[%add3A_168, %dma_start3A_184] : memref<16384x128xf32, #tpu.memory_space<hbm>> -> memref<64x128xf32, #tpu.memory_space<hbm>>
    %dma_start3A_186 = arith.constant 0 : i32
    %dma_start3A_187 = arith.constant 128 : i32
    %dma_start3A_188 = tpu.memref_slice %arg10[%dma_start3A_186, %dma_start3A_187] : memref<64x256xf32, #tpu.memory_space<vmem>> -> memref<64x128xf32, #tpu.memory_space<vmem>>
    tpu.enqueue_dma source(%dma_start3A_188 : memref<64x128xf32, #tpu.memory_space<vmem>>) target(%dma_start3A_185 : memref<64x128xf32, #tpu.memory_space<hbm>>) target_semaphore(%arg14 : memref<!tpu.dma_semaphore, #tpu.memory_space<semaphore_mem>>)
    %dma_wait3A_189 = arith.constant 256 : i32
    %dma_wait3A_190 = tpu.memref_slice %arg6[%dma_wait3A_189] : memref<512xi32, #tpu.memory_space<vmem>> -> memref<64xi32, #tpu.memory_space<vmem>>
    %dma_wait3A_191 = arith.constant 0 : i32
    %dma_wait3A_192 = arith.constant 0 : i32
    %dma_wait3A_193 = tpu.memref_slice %arg3[%dma_wait3A_191, %dma_wait3A_192] : memref<16384x256xf32, #tpu.memory_space<hbm>> -> memref<16384x256xf32, #tpu.memory_space<hbm>>
    tpu.wait_indirect_dma semaphore(%arg13 : memref<!tpu.dma_semaphore, #tpu.memory_space<semaphore_mem>>) src(%dma_wait3A_193 : memref<16384x256xf32, #tpu.memory_space<hbm>>) dst(%arg11 : memref<64x256xf32, #tpu.memory_space<vmem>>)
    %add3A_194 = arith.constant 256 : i32
    %add3A_195 = arith.addi %mul3A_2, %add3A_194 : i32
    %dma_start3A_196 = arith.constant 0 : i32
    %dma_start3A_197 = arith.constant 0 : i32
    %dma_start3A_198 = tpu.memref_slice %arg11[%dma_start3A_196, %dma_start3A_197] : memref<64x256xf32, #tpu.memory_space<vmem>> -> memref<64x128xf32, #tpu.memory_space<vmem>>
    %dma_start3A_199 = arith.constant 0 : i32
    %dma_start3A_200 = tpu.memref_slice %arg4[%add3A_195, %dma_start3A_199] : memref<16384x128xf32, #tpu.memory_space<hbm>> -> memref<64x128xf32, #tpu.memory_space<hbm>>
    %dma_start3A_201 = arith.constant 0 : i32
    %dma_start3A_202 = tpu.memref_slice %arg4[%add3A_195, %dma_start3A_201] : memref<16384x128xf32, #tpu.memory_space<hbm>> -> memref<64x128xf32, #tpu.memory_space<hbm>>
    %dma_start3A_203 = arith.constant 0 : i32
    %dma_start3A_204 = arith.constant 0 : i32
    %dma_start3A_205 = tpu.memref_slice %arg11[%dma_start3A_203, %dma_start3A_204] : memref<64x256xf32, #tpu.memory_space<vmem>> -> memref<64x128xf32, #tpu.memory_space<vmem>>
    tpu.enqueue_dma source(%dma_start3A_205 : memref<64x128xf32, #tpu.memory_space<vmem>>) target(%dma_start3A_202 : memref<64x128xf32, #tpu.memory_space<hbm>>) target_semaphore(%arg14 : memref<!tpu.dma_semaphore, #tpu.memory_space<semaphore_mem>>)
    %dma_start3A_206 = arith.constant 0 : i32
    %dma_start3A_207 = arith.constant 128 : i32
    %dma_start3A_208 = tpu.memref_slice %arg11[%dma_start3A_206, %dma_start3A_207] : memref<64x256xf32, #tpu.memory_space<vmem>> -> memref<64x128xf32, #tpu.memory_space<vmem>>
    %dma_start3A_209 = arith.constant 0 : i32
    %dma_start3A_210 = tpu.memref_slice %arg5[%add3A_195, %dma_start3A_209] : memref<16384x128xf32, #tpu.memory_space<hbm>> -> memref<64x128xf32, #tpu.memory_space<hbm>>
    %dma_start3A_211 = arith.constant 0 : i32
    %dma_start3A_212 = tpu.memref_slice %arg5[%add3A_195, %dma_start3A_211] : memref<16384x128xf32, #tpu.memory_space<hbm>> -> memref<64x128xf32, #tpu.memory_space<hbm>>
    %dma_start3A_213 = arith.constant 0 : i32
    %dma_start3A_214 = arith.constant 128 : i32
    %dma_start3A_215 = tpu.memref_slice %arg11[%dma_start3A_213, %dma_start3A_214] : memref<64x256xf32, #tpu.memory_space<vmem>> -> memref<64x128xf32, #tpu.memory_space<vmem>>
    tpu.enqueue_dma source(%dma_start3A_215 : memref<64x128xf32, #tpu.memory_space<vmem>>) target(%dma_start3A_212 : memref<64x128xf32, #tpu.memory_space<hbm>>) target_semaphore(%arg14 : memref<!tpu.dma_semaphore, #tpu.memory_space<semaphore_mem>>)
    %dma_wait3A_216 = arith.constant 320 : i32
    %dma_wait3A_217 = tpu.memref_slice %arg6[%dma_wait3A_216] : memref<512xi32, #tpu.memory_space<vmem>> -> memref<64xi32, #tpu.memory_space<vmem>>
    %dma_wait3A_218 = arith.constant 0 : i32
    %dma_wait3A_219 = arith.constant 0 : i32
    %dma_wait3A_220 = tpu.memref_slice %arg3[%dma_wait3A_218, %dma_wait3A_219] : memref<16384x256xf32, #tpu.memory_space<hbm>> -> memref<16384x256xf32, #tpu.memory_space<hbm>>
    tpu.wait_indirect_dma semaphore(%arg13 : memref<!tpu.dma_semaphore, #tpu.memory_space<semaphore_mem>>) src(%dma_wait3A_220 : memref<16384x256xf32, #tpu.memory_space<hbm>>) dst(%arg12 : memref<64x256xf32, #tpu.memory_space<vmem>>)
    %add3A_221 = arith.constant 320 : i32
    %add3A_222 = arith.addi %mul3A_2, %add3A_221 : i32
    %dma_start3A_223 = arith.constant 0 : i32
    %dma_start3A_224 = arith.constant 0 : i32
    %dma_start3A_225 = tpu.memref_slice %arg12[%dma_start3A_223, %dma_start3A_224] : memref<64x256xf32, #tpu.memory_space<vmem>> -> memref<64x128xf32, #tpu.memory_space<vmem>>
    %dma_start3A_226 = arith.constant 0 : i32
    %dma_start3A_227 = tpu.memref_slice %arg4[%add3A_222, %dma_start3A_226] : memref<16384x128xf32, #tpu.memory_space<hbm>> -> memref<64x128xf32, #tpu.memory_space<hbm>>
    %dma_start3A_228 = arith.constant 0 : i32
    %dma_start3A_229 = tpu.memref_slice %arg4[%add3A_222, %dma_start3A_228] : memref<16384x128xf32, #tpu.memory_space<hbm>> -> memref<64x128xf32, #tpu.memory_space<hbm>>
    %dma_start3A_230 = arith.constant 0 : i32
    %dma_start3A_231 = arith.constant 0 : i32
    %dma_start3A_232 = tpu.memref_slice %arg12[%dma_start3A_230, %dma_start3A_231] : memref<64x256xf32, #tpu.memory_space<vmem>> -> memref<64x128xf32, #tpu.memory_space<vmem>>
    tpu.enqueue_dma source(%dma_start3A_232 : memref<64x128xf32, #tpu.memory_space<vmem>>) target(%dma_start3A_229 : memref<64x128xf32, #tpu.memory_space<hbm>>) target_semaphore(%arg14 : memref<!tpu.dma_semaphore, #tpu.memory_space<semaphore_mem>>)
    %dma_start3A_233 = arith.constant 0 : i32
    %dma_start3A_234 = arith.constant 128 : i32
    %dma_start3A_235 = tpu.memref_slice %arg12[%dma_start3A_233, %dma_start3A_234] : memref<64x256xf32, #tpu.memory_space<vmem>> -> memref<64x128xf32, #tpu.memory_space<vmem>>
    %dma_start3A_236 = arith.constant 0 : i32
    %dma_start3A_237 = tpu.memref_slice %arg5[%add3A_222, %dma_start3A_236] : memref<16384x128xf32, #tpu.memory_space<hbm>> -> memref<64x128xf32, #tpu.memory_space<hbm>>
    %dma_start3A_238 = arith.constant 0 : i32
    %dma_start3A_239 = tpu.memref_slice %arg5[%add3A_222, %dma_start3A_238] : memref<16384x128xf32, #tpu.memory_space<hbm>> -> memref<64x128xf32, #tpu.memory_space<hbm>>
    %dma_start3A_240 = arith.constant 0 : i32
    %dma_start3A_241 = arith.constant 128 : i32
    %dma_start3A_242 = tpu.memref_slice %arg12[%dma_start3A_240, %dma_start3A_241] : memref<64x256xf32, #tpu.memory_space<vmem>> -> memref<64x128xf32, #tpu.memory_space<vmem>>
    tpu.enqueue_dma source(%dma_start3A_242 : memref<64x128xf32, #tpu.memory_space<vmem>>) target(%dma_start3A_239 : memref<64x128xf32, #tpu.memory_space<hbm>>) target_semaphore(%arg14 : memref<!tpu.dma_semaphore, #tpu.memory_space<semaphore_mem>>)
    %dma_wait3A_243 = arith.constant 384 : i32
    %dma_wait3A_244 = tpu.memref_slice %arg6[%dma_wait3A_243] : memref<512xi32, #tpu.memory_space<vmem>> -> memref<64xi32, #tpu.memory_space<vmem>>
    %dma_wait3A_245 = arith.constant 0 : i32
    %dma_wait3A_246 = arith.constant 0 : i32
    %dma_wait3A_247 = tpu.memref_slice %arg3[%dma_wait3A_245, %dma_wait3A_246] : memref<16384x256xf32, #tpu.memory_space<hbm>> -> memref<16384x256xf32, #tpu.memory_space<hbm>>
    tpu.wait_indirect_dma semaphore(%arg13 : memref<!tpu.dma_semaphore, #tpu.memory_space<semaphore_mem>>) src(%dma_wait3A_247 : memref<16384x256xf32, #tpu.memory_space<hbm>>) dst(%arg7 : memref<64x256xf32, #tpu.memory_space<vmem>>)
    %add3A_248 = arith.constant 384 : i32
    %add3A_249 = arith.addi %mul3A_2, %add3A_248 : i32
    %dma_start3A_250 = arith.constant 0 : i32
    %dma_start3A_251 = arith.constant 0 : i32
    %dma_start3A_252 = tpu.memref_slice %arg7[%dma_start3A_250, %dma_start3A_251] : memref<64x256xf32, #tpu.memory_space<vmem>> -> memref<64x128xf32, #tpu.memory_space<vmem>>
    %dma_start3A_253 = arith.constant 0 : i32
    %dma_start3A_254 = tpu.memref_slice %arg4[%add3A_249, %dma_start3A_253] : memref<16384x128xf32, #tpu.memory_space<hbm>> -> memref<64x128xf32, #tpu.memory_space<hbm>>
    %dma_start3A_255 = arith.constant 0 : i32
    %dma_start3A_256 = tpu.memref_slice %arg4[%add3A_249, %dma_start3A_255] : memref<16384x128xf32, #tpu.memory_space<hbm>> -> memref<64x128xf32, #tpu.memory_space<hbm>>
    %dma_start3A_257 = arith.constant 0 : i32
    %dma_start3A_258 = arith.constant 0 : i32
    %dma_start3A_259 = tpu.memref_slice %arg7[%dma_start3A_257, %dma_start3A_258] : memref<64x256xf32, #tpu.memory_space<vmem>> -> memref<64x128xf32, #tpu.memory_space<vmem>>
    tpu.enqueue_dma source(%dma_start3A_259 : memref<64x128xf32, #tpu.memory_space<vmem>>) target(%dma_start3A_256 : memref<64x128xf32, #tpu.memory_space<hbm>>) target_semaphore(%arg14 : memref<!tpu.dma_semaphore, #tpu.memory_space<semaphore_mem>>)
    %dma_start3A_260 = arith.constant 0 : i32
    %dma_start3A_261 = arith.constant 128 : i32
    %dma_start3A_262 = tpu.memref_slice %arg7[%dma_start3A_260, %dma_start3A_261] : memref<64x256xf32, #tpu.memory_space<vmem>> -> memref<64x128xf32, #tpu.memory_space<vmem>>
    %dma_start3A_263 = arith.constant 0 : i32
    %dma_start3A_264 = tpu.memref_slice %arg5[%add3A_249, %dma_start3A_263] : memref<16384x128xf32, #tpu.memory_space<hbm>> -> memref<64x128xf32, #tpu.memory_space<hbm>>
    %dma_start3A_265 = arith.constant 0 : i32
    %dma_start3A_266 = tpu.memref_slice %arg5[%add3A_249, %dma_start3A_265] : memref<16384x128xf32, #tpu.memory_space<hbm>> -> memref<64x128xf32, #tpu.memory_space<hbm>>
    %dma_start3A_267 = arith.constant 0 : i32
    %dma_start3A_268 = arith.constant 128 : i32
    %dma_start3A_269 = tpu.memref_slice %arg7[%dma_start3A_267, %dma_start3A_268] : memref<64x256xf32, #tpu.memory_space<vmem>> -> memref<64x128xf32, #tpu.memory_space<vmem>>
    tpu.enqueue_dma source(%dma_start3A_269 : memref<64x128xf32, #tpu.memory_space<vmem>>) target(%dma_start3A_266 : memref<64x128xf32, #tpu.memory_space<hbm>>) target_semaphore(%arg14 : memref<!tpu.dma_semaphore, #tpu.memory_space<semaphore_mem>>)
    %dma_wait3A_270 = arith.constant 448 : i32
    %dma_wait3A_271 = tpu.memref_slice %arg6[%dma_wait3A_270] : memref<512xi32, #tpu.memory_space<vmem>> -> memref<64xi32, #tpu.memory_space<vmem>>
    %dma_wait3A_272 = arith.constant 0 : i32
    %dma_wait3A_273 = arith.constant 0 : i32
    %dma_wait3A_274 = tpu.memref_slice %arg3[%dma_wait3A_272, %dma_wait3A_273] : memref<16384x256xf32, #tpu.memory_space<hbm>> -> memref<16384x256xf32, #tpu.memory_space<hbm>>
    tpu.wait_indirect_dma semaphore(%arg13 : memref<!tpu.dma_semaphore, #tpu.memory_space<semaphore_mem>>) src(%dma_wait3A_274 : memref<16384x256xf32, #tpu.memory_space<hbm>>) dst(%arg8 : memref<64x256xf32, #tpu.memory_space<vmem>>)
    %add3A_275 = arith.constant 448 : i32
    %add3A_276 = arith.addi %mul3A_2, %add3A_275 : i32
    %dma_start3A_277 = arith.constant 0 : i32
    %dma_start3A_278 = arith.constant 0 : i32
    %dma_start3A_279 = tpu.memref_slice %arg8[%dma_start3A_277, %dma_start3A_278] : memref<64x256xf32, #tpu.memory_space<vmem>> -> memref<64x128xf32, #tpu.memory_space<vmem>>
    %dma_start3A_280 = arith.constant 0 : i32
    %dma_start3A_281 = tpu.memref_slice %arg4[%add3A_276, %dma_start3A_280] : memref<16384x128xf32, #tpu.memory_space<hbm>> -> memref<64x128xf32, #tpu.memory_space<hbm>>
    %dma_start3A_282 = arith.constant 0 : i32
    %dma_start3A_283 = tpu.memref_slice %arg4[%add3A_276, %dma_start3A_282] : memref<16384x128xf32, #tpu.memory_space<hbm>> -> memref<64x128xf32, #tpu.memory_space<hbm>>
    %dma_start3A_284 = arith.constant 0 : i32
    %dma_start3A_285 = arith.constant 0 : i32
    %dma_start3A_286 = tpu.memref_slice %arg8[%dma_start3A_284, %dma_start3A_285] : memref<64x256xf32, #tpu.memory_space<vmem>> -> memref<64x128xf32, #tpu.memory_space<vmem>>
    tpu.enqueue_dma source(%dma_start3A_286 : memref<64x128xf32, #tpu.memory_space<vmem>>) target(%dma_start3A_283 : memref<64x128xf32, #tpu.memory_space<hbm>>) target_semaphore(%arg14 : memref<!tpu.dma_semaphore, #tpu.memory_space<semaphore_mem>>)
    %dma_start3A_287 = arith.constant 0 : i32
    %dma_start3A_288 = arith.constant 128 : i32
    %dma_start3A_289 = tpu.memref_slice %arg8[%dma_start3A_287, %dma_start3A_288] : memref<64x256xf32, #tpu.memory_space<vmem>> -> memref<64x128xf32, #tpu.memory_space<vmem>>
    %dma_start3A_290 = arith.constant 0 : i32
    %dma_start3A_291 = tpu.memref_slice %arg5[%add3A_276, %dma_start3A_290] : memref<16384x128xf32, #tpu.memory_space<hbm>> -> memref<64x128xf32, #tpu.memory_space<hbm>>
    %dma_start3A_292 = arith.constant 0 : i32
    %dma_start3A_293 = tpu.memref_slice %arg5[%add3A_276, %dma_start3A_292] : memref<16384x128xf32, #tpu.memory_space<hbm>> -> memref<64x128xf32, #tpu.memory_space<hbm>>
    %dma_start3A_294 = arith.constant 0 : i32
    %dma_start3A_295 = arith.constant 128 : i32
    %dma_start3A_296 = tpu.memref_slice %arg8[%dma_start3A_294, %dma_start3A_295] : memref<64x256xf32, #tpu.memory_space<vmem>> -> memref<64x128xf32, #tpu.memory_space<vmem>>
    tpu.enqueue_dma source(%dma_start3A_296 : memref<64x128xf32, #tpu.memory_space<vmem>>) target(%dma_start3A_293 : memref<64x128xf32, #tpu.memory_space<hbm>>) target_semaphore(%arg14 : memref<!tpu.dma_semaphore, #tpu.memory_space<semaphore_mem>>)
    %dma_wait3A_297 = arith.constant 0 : i32
    %dma_wait3A_298 = arith.constant 0 : i32
    %dma_wait3A_299 = tpu.memref_slice %arg9[%dma_wait3A_297, %dma_wait3A_298] : memref<64x256xf32, #tpu.memory_space<vmem>> -> memref<64x128xf32, #tpu.memory_space<vmem>>
    %dma_wait3A_300 = arith.constant 0 : i32
    %dma_wait3A_301 = tpu.memref_slice %arg4[%add3A_141, %dma_wait3A_300] : memref<16384x128xf32, #tpu.memory_space<hbm>> -> memref<64x128xf32, #tpu.memory_space<hbm>>
    %dma_wait3A_302 = arith.constant 0 : i32
    %dma_wait3A_303 = tpu.memref_slice %arg4[%add3A_141, %dma_wait3A_302] : memref<16384x128xf32, #tpu.memory_space<hbm>> -> memref<64x128xf32, #tpu.memory_space<hbm>>
    %dma_wait3A_304 = arith.constant 0 : i32
    %dma_wait3A_305 = arith.constant 0 : i32
    %dma_wait3A_306 = tpu.memref_slice %arg9[%dma_wait3A_304, %dma_wait3A_305] : memref<64x256xf32, #tpu.memory_space<vmem>> -> memref<64x128xf32, #tpu.memory_space<vmem>>
    tpu.wait_dma2 semaphore(%arg14 : memref<!tpu.dma_semaphore, #tpu.memory_space<semaphore_mem>>) src(%dma_wait3A_306 : memref<64x128xf32, #tpu.memory_space<vmem>>) dst(%dma_wait3A_303 : memref<64x128xf32, #tpu.memory_space<hbm>>)
    %dma_wait3A_307 = arith.constant 0 : i32
    %dma_wait3A_308 = arith.constant 128 : i32
    %dma_wait3A_309 = tpu.memref_slice %arg9[%dma_wait3A_307, %dma_wait3A_308] : memref<64x256xf32, #tpu.memory_space<vmem>> -> memref<64x128xf32, #tpu.memory_space<vmem>>
    %dma_wait3A_310 = arith.constant 0 : i32
    %dma_wait3A_311 = tpu.memref_slice %arg5[%add3A_141, %dma_wait3A_310] : memref<16384x128xf32, #tpu.memory_space<hbm>> -> memref<64x128xf32, #tpu.memory_space<hbm>>
    %dma_wait3A_312 = arith.constant 0 : i32
    %dma_wait3A_313 = tpu.memref_slice %arg5[%add3A_141, %dma_wait3A_312] : memref<16384x128xf32, #tpu.memory_space<hbm>> -> memref<64x128xf32, #tpu.memory_space<hbm>>
    %dma_wait3A_314 = arith.constant 0 : i32
    %dma_wait3A_315 = arith.constant 128 : i32
    %dma_wait3A_316 = tpu.memref_slice %arg9[%dma_wait3A_314, %dma_wait3A_315] : memref<64x256xf32, #tpu.memory_space<vmem>> -> memref<64x128xf32, #tpu.memory_space<vmem>>
    tpu.wait_dma2 semaphore(%arg14 : memref<!tpu.dma_semaphore, #tpu.memory_space<semaphore_mem>>) src(%dma_wait3A_316 : memref<64x128xf32, #tpu.memory_space<vmem>>) dst(%dma_wait3A_313 : memref<64x128xf32, #tpu.memory_space<hbm>>)
    %dma_wait3A_317 = arith.constant 0 : i32
    %dma_wait3A_318 = arith.constant 0 : i32
    %dma_wait3A_319 = tpu.memref_slice %arg10[%dma_wait3A_317, %dma_wait3A_318] : memref<64x256xf32, #tpu.memory_space<vmem>> -> memref<64x128xf32, #tpu.memory_space<vmem>>
    %dma_wait3A_320 = arith.constant 0 : i32
    %dma_wait3A_321 = tpu.memref_slice %arg4[%add3A_168, %dma_wait3A_320] : memref<16384x128xf32, #tpu.memory_space<hbm>> -> memref<64x128xf32, #tpu.memory_space<hbm>>
    %dma_wait3A_322 = arith.constant 0 : i32
    %dma_wait3A_323 = tpu.memref_slice %arg4[%add3A_168, %dma_wait3A_322] : memref<16384x128xf32, #tpu.memory_space<hbm>> -> memref<64x128xf32, #tpu.memory_space<hbm>>
    %dma_wait3A_324 = arith.constant 0 : i32
    %dma_wait3A_325 = arith.constant 0 : i32
    %dma_wait3A_326 = tpu.memref_slice %arg10[%dma_wait3A_324, %dma_wait3A_325] : memref<64x256xf32, #tpu.memory_space<vmem>> -> memref<64x128xf32, #tpu.memory_space<vmem>>
    tpu.wait_dma2 semaphore(%arg14 : memref<!tpu.dma_semaphore, #tpu.memory_space<semaphore_mem>>) src(%dma_wait3A_326 : memref<64x128xf32, #tpu.memory_space<vmem>>) dst(%dma_wait3A_323 : memref<64x128xf32, #tpu.memory_space<hbm>>)
    %dma_wait3A_327 = arith.constant 0 : i32
    %dma_wait3A_328 = arith.constant 128 : i32
    %dma_wait3A_329 = tpu.memref_slice %arg10[%dma_wait3A_327, %dma_wait3A_328] : memref<64x256xf32, #tpu.memory_space<vmem>> -> memref<64x128xf32, #tpu.memory_space<vmem>>
    %dma_wait3A_330 = arith.constant 0 : i32
    %dma_wait3A_331 = tpu.memref_slice %arg5[%add3A_168, %dma_wait3A_330] : memref<16384x128xf32, #tpu.memory_space<hbm>> -> memref<64x128xf32, #tpu.memory_space<hbm>>
    %dma_wait3A_332 = arith.constant 0 : i32
    %dma_wait3A_333 = tpu.memref_slice %arg5[%add3A_168, %dma_wait3A_332] : memref<16384x128xf32, #tpu.memory_space<hbm>> -> memref<64x128xf32, #tpu.memory_space<hbm>>
    %dma_wait3A_334 = arith.constant 0 : i32
    %dma_wait3A_335 = arith.constant 128 : i32
    %dma_wait3A_336 = tpu.memref_slice %arg10[%dma_wait3A_334, %dma_wait3A_335] : memref<64x256xf32, #tpu.memory_space<vmem>> -> memref<64x128xf32, #tpu.memory_space<vmem>>
    tpu.wait_dma2 semaphore(%arg14 : memref<!tpu.dma_semaphore, #tpu.memory_space<semaphore_mem>>) src(%dma_wait3A_336 : memref<64x128xf32, #tpu.memory_space<vmem>>) dst(%dma_wait3A_333 : memref<64x128xf32, #tpu.memory_space<hbm>>)
    %dma_wait3A_337 = arith.constant 0 : i32
    %dma_wait3A_338 = arith.constant 0 : i32
    %dma_wait3A_339 = tpu.memref_slice %arg11[%dma_wait3A_337, %dma_wait3A_338] : memref<64x256xf32, #tpu.memory_space<vmem>> -> memref<64x128xf32, #tpu.memory_space<vmem>>
    %dma_wait3A_340 = arith.constant 0 : i32
    %dma_wait3A_341 = tpu.memref_slice %arg4[%add3A_195, %dma_wait3A_340] : memref<16384x128xf32, #tpu.memory_space<hbm>> -> memref<64x128xf32, #tpu.memory_space<hbm>>
    %dma_wait3A_342 = arith.constant 0 : i32
    %dma_wait3A_343 = tpu.memref_slice %arg4[%add3A_195, %dma_wait3A_342] : memref<16384x128xf32, #tpu.memory_space<hbm>> -> memref<64x128xf32, #tpu.memory_space<hbm>>
    %dma_wait3A_344 = arith.constant 0 : i32
    %dma_wait3A_345 = arith.constant 0 : i32
    %dma_wait3A_346 = tpu.memref_slice %arg11[%dma_wait3A_344, %dma_wait3A_345] : memref<64x256xf32, #tpu.memory_space<vmem>> -> memref<64x128xf32, #tpu.memory_space<vmem>>
    tpu.wait_dma2 semaphore(%arg14 : memref<!tpu.dma_semaphore, #tpu.memory_space<semaphore_mem>>) src(%dma_wait3A_346 : memref<64x128xf32, #tpu.memory_space<vmem>>) dst(%dma_wait3A_343 : memref<64x128xf32, #tpu.memory_space<hbm>>)
    %dma_wait3A_347 = arith.constant 0 : i32
    %dma_wait3A_348 = arith.constant 128 : i32
    %dma_wait3A_349 = tpu.memref_slice %arg11[%dma_wait3A_347, %dma_wait3A_348] : memref<64x256xf32, #tpu.memory_space<vmem>> -> memref<64x128xf32, #tpu.memory_space<vmem>>
    %dma_wait3A_350 = arith.constant 0 : i32
    %dma_wait3A_351 = tpu.memref_slice %arg5[%add3A_195, %dma_wait3A_350] : memref<16384x128xf32, #tpu.memory_space<hbm>> -> memref<64x128xf32, #tpu.memory_space<hbm>>
    %dma_wait3A_352 = arith.constant 0 : i32
    %dma_wait3A_353 = tpu.memref_slice %arg5[%add3A_195, %dma_wait3A_352] : memref<16384x128xf32, #tpu.memory_space<hbm>> -> memref<64x128xf32, #tpu.memory_space<hbm>>
    %dma_wait3A_354 = arith.constant 0 : i32
    %dma_wait3A_355 = arith.constant 128 : i32
    %dma_wait3A_356 = tpu.memref_slice %arg11[%dma_wait3A_354, %dma_wait3A_355] : memref<64x256xf32, #tpu.memory_space<vmem>> -> memref<64x128xf32, #tpu.memory_space<vmem>>
    tpu.wait_dma2 semaphore(%arg14 : memref<!tpu.dma_semaphore, #tpu.memory_space<semaphore_mem>>) src(%dma_wait3A_356 : memref<64x128xf32, #tpu.memory_space<vmem>>) dst(%dma_wait3A_353 : memref<64x128xf32, #tpu.memory_space<hbm>>)
    %dma_wait3A_357 = arith.constant 0 : i32
    %dma_wait3A_358 = arith.constant 0 : i32
    %dma_wait3A_359 = tpu.memref_slice %arg12[%dma_wait3A_357, %dma_wait3A_358] : memref<64x256xf32, #tpu.memory_space<vmem>> -> memref<64x128xf32, #tpu.memory_space<vmem>>
    %dma_wait3A_360 = arith.constant 0 : i32
    %dma_wait3A_361 = tpu.memref_slice %arg4[%add3A_222, %dma_wait3A_360] : memref<16384x128xf32, #tpu.memory_space<hbm>> -> memref<64x128xf32, #tpu.memory_space<hbm>>
    %dma_wait3A_362 = arith.constant 0 : i32
    %dma_wait3A_363 = tpu.memref_slice %arg4[%add3A_222, %dma_wait3A_362] : memref<16384x128xf32, #tpu.memory_space<hbm>> -> memref<64x128xf32, #tpu.memory_space<hbm>>
    %dma_wait3A_364 = arith.constant 0 : i32
    %dma_wait3A_365 = arith.constant 0 : i32
    %dma_wait3A_366 = tpu.memref_slice %arg12[%dma_wait3A_364, %dma_wait3A_365] : memref<64x256xf32, #tpu.memory_space<vmem>> -> memref<64x128xf32, #tpu.memory_space<vmem>>
    tpu.wait_dma2 semaphore(%arg14 : memref<!tpu.dma_semaphore, #tpu.memory_space<semaphore_mem>>) src(%dma_wait3A_366 : memref<64x128xf32, #tpu.memory_space<vmem>>) dst(%dma_wait3A_363 : memref<64x128xf32, #tpu.memory_space<hbm>>)
    %dma_wait3A_367 = arith.constant 0 : i32
    %dma_wait3A_368 = arith.constant 128 : i32
    %dma_wait3A_369 = tpu.memref_slice %arg12[%dma_wait3A_367, %dma_wait3A_368] : memref<64x256xf32, #tpu.memory_space<vmem>> -> memref<64x128xf32, #tpu.memory_space<vmem>>
    %dma_wait3A_370 = arith.constant 0 : i32
    %dma_wait3A_371 = tpu.memref_slice %arg5[%add3A_222, %dma_wait3A_370] : memref<16384x128xf32, #tpu.memory_space<hbm>> -> memref<64x128xf32, #tpu.memory_space<hbm>>
    %dma_wait3A_372 = arith.constant 0 : i32
    %dma_wait3A_373 = tpu.memref_slice %arg5[%add3A_222, %dma_wait3A_372] : memref<16384x128xf32, #tpu.memory_space<hbm>> -> memref<64x128xf32, #tpu.memory_space<hbm>>
    %dma_wait3A_374 = arith.constant 0 : i32
    %dma_wait3A_375 = arith.constant 128 : i32
    %dma_wait3A_376 = tpu.memref_slice %arg12[%dma_wait3A_374, %dma_wait3A_375] : memref<64x256xf32, #tpu.memory_space<vmem>> -> memref<64x128xf32, #tpu.memory_space<vmem>>
    tpu.wait_dma2 semaphore(%arg14 : memref<!tpu.dma_semaphore, #tpu.memory_space<semaphore_mem>>) src(%dma_wait3A_376 : memref<64x128xf32, #tpu.memory_space<vmem>>) dst(%dma_wait3A_373 : memref<64x128xf32, #tpu.memory_space<hbm>>)
    %dma_wait3A_377 = arith.constant 0 : i32
    %dma_wait3A_378 = arith.constant 0 : i32
    %dma_wait3A_379 = tpu.memref_slice %arg7[%dma_wait3A_377, %dma_wait3A_378] : memref<64x256xf32, #tpu.memory_space<vmem>> -> memref<64x128xf32, #tpu.memory_space<vmem>>
    %dma_wait3A_380 = arith.constant 0 : i32
    %dma_wait3A_381 = tpu.memref_slice %arg4[%add3A_249, %dma_wait3A_380] : memref<16384x128xf32, #tpu.memory_space<hbm>> -> memref<64x128xf32, #tpu.memory_space<hbm>>
    %dma_wait3A_382 = arith.constant 0 : i32
    %dma_wait3A_383 = tpu.memref_slice %arg4[%add3A_249, %dma_wait3A_382] : memref<16384x128xf32, #tpu.memory_space<hbm>> -> memref<64x128xf32, #tpu.memory_space<hbm>>
    %dma_wait3A_384 = arith.constant 0 : i32
    %dma_wait3A_385 = arith.constant 0 : i32
    %dma_wait3A_386 = tpu.memref_slice %arg7[%dma_wait3A_384, %dma_wait3A_385] : memref<64x256xf32, #tpu.memory_space<vmem>> -> memref<64x128xf32, #tpu.memory_space<vmem>>
    tpu.wait_dma2 semaphore(%arg14 : memref<!tpu.dma_semaphore, #tpu.memory_space<semaphore_mem>>) src(%dma_wait3A_386 : memref<64x128xf32, #tpu.memory_space<vmem>>) dst(%dma_wait3A_383 : memref<64x128xf32, #tpu.memory_space<hbm>>)
    %dma_wait3A_387 = arith.constant 0 : i32
    %dma_wait3A_388 = arith.constant 128 : i32
    %dma_wait3A_389 = tpu.memref_slice %arg7[%dma_wait3A_387, %dma_wait3A_388] : memref<64x256xf32, #tpu.memory_space<vmem>> -> memref<64x128xf32, #tpu.memory_space<vmem>>
    %dma_wait3A_390 = arith.constant 0 : i32
    %dma_wait3A_391 = tpu.memref_slice %arg5[%add3A_249, %dma_wait3A_390] : memref<16384x128xf32, #tpu.memory_space<hbm>> -> memref<64x128xf32, #tpu.memory_space<hbm>>
    %dma_wait3A_392 = arith.constant 0 : i32
    %dma_wait3A_393 = tpu.memref_slice %arg5[%add3A_249, %dma_wait3A_392] : memref<16384x128xf32, #tpu.memory_space<hbm>> -> memref<64x128xf32, #tpu.memory_space<hbm>>
    %dma_wait3A_394 = arith.constant 0 : i32
    %dma_wait3A_395 = arith.constant 128 : i32
    %dma_wait3A_396 = tpu.memref_slice %arg7[%dma_wait3A_394, %dma_wait3A_395] : memref<64x256xf32, #tpu.memory_space<vmem>> -> memref<64x128xf32, #tpu.memory_space<vmem>>
    tpu.wait_dma2 semaphore(%arg14 : memref<!tpu.dma_semaphore, #tpu.memory_space<semaphore_mem>>) src(%dma_wait3A_396 : memref<64x128xf32, #tpu.memory_space<vmem>>) dst(%dma_wait3A_393 : memref<64x128xf32, #tpu.memory_space<hbm>>)
    %dma_wait3A_397 = arith.constant 0 : i32
    %dma_wait3A_398 = arith.constant 0 : i32
    %dma_wait3A_399 = tpu.memref_slice %arg8[%dma_wait3A_397, %dma_wait3A_398] : memref<64x256xf32, #tpu.memory_space<vmem>> -> memref<64x128xf32, #tpu.memory_space<vmem>>
    %dma_wait3A_400 = arith.constant 0 : i32
    %dma_wait3A_401 = tpu.memref_slice %arg4[%add3A_276, %dma_wait3A_400] : memref<16384x128xf32, #tpu.memory_space<hbm>> -> memref<64x128xf32, #tpu.memory_space<hbm>>
    %dma_wait3A_402 = arith.constant 0 : i32
    %dma_wait3A_403 = tpu.memref_slice %arg4[%add3A_276, %dma_wait3A_402] : memref<16384x128xf32, #tpu.memory_space<hbm>> -> memref<64x128xf32, #tpu.memory_space<hbm>>
    %dma_wait3A_404 = arith.constant 0 : i32
    %dma_wait3A_405 = arith.constant 0 : i32
    %dma_wait3A_406 = tpu.memref_slice %arg8[%dma_wait3A_404, %dma_wait3A_405] : memref<64x256xf32, #tpu.memory_space<vmem>> -> memref<64x128xf32, #tpu.memory_space<vmem>>
    tpu.wait_dma2 semaphore(%arg14 : memref<!tpu.dma_semaphore, #tpu.memory_space<semaphore_mem>>) src(%dma_wait3A_406 : memref<64x128xf32, #tpu.memory_space<vmem>>) dst(%dma_wait3A_403 : memref<64x128xf32, #tpu.memory_space<hbm>>)
    %dma_wait3A_407 = arith.constant 0 : i32
    %dma_wait3A_408 = arith.constant 128 : i32
    %dma_wait3A_409 = tpu.memref_slice %arg8[%dma_wait3A_407, %dma_wait3A_408] : memref<64x256xf32, #tpu.memory_space<vmem>> -> memref<64x128xf32, #tpu.memory_space<vmem>>
    %dma_wait3A_410 = arith.constant 0 : i32
    %dma_wait3A_411 = tpu.memref_slice %arg5[%add3A_276, %dma_wait3A_410] : memref<16384x128xf32, #tpu.memory_space<hbm>> -> memref<64x128xf32, #tpu.memory_space<hbm>>
    %dma_wait3A_412 = arith.constant 0 : i32
    %dma_wait3A_413 = tpu.memref_slice %arg5[%add3A_276, %dma_wait3A_412] : memref<16384x128xf32, #tpu.memory_space<hbm>> -> memref<64x128xf32, #tpu.memory_space<hbm>>
    %dma_wait3A_414 = arith.constant 0 : i32
    %dma_wait3A_415 = arith.constant 128 : i32
    %dma_wait3A_416 = tpu.memref_slice %arg8[%dma_wait3A_414, %dma_wait3A_415] : memref<64x256xf32, #tpu.memory_space<vmem>> -> memref<64x128xf32, #tpu.memory_space<vmem>>
    tpu.wait_dma2 semaphore(%arg14 : memref<!tpu.dma_semaphore, #tpu.memory_space<semaphore_mem>>) src(%dma_wait3A_416 : memref<64x128xf32, #tpu.memory_space<vmem>>) dst(%dma_wait3A_413 : memref<64x128xf32, #tpu.memory_space<hbm>>)
    return
  }
}

module attributes {stable_mosaic.version = 14 : i64} {
  func.func @_perm_body(%arg0: i32, %arg1: memref<1x512x128xf32, #tpu.memory_space<vmem>>, %arg2: memref<1x512x128xf32, #tpu.memory_space<vmem>>, %arg3: memref<128x256xf32, #tpu.memory_space<vmem>>, %arg4: memref<1x256xf32, #tpu.memory_space<vmem>>, %arg5: memref<256x512xf32, #tpu.memory_space<vmem>>, %arg6: memref<1x512xf32, #tpu.memory_space<vmem>>, %arg7: memref<1x1x512xi32, #tpu.memory_space<vmem>>, %arg8: memref<1x1x512xi32, #tpu.memory_space<vmem>>, %arg9: memref<512x256xf32, #tpu.memory_space<vmem>>) attributes {dimension_semantics = [#tpu.dimension_semantics<arbitrary>], iteration_bounds = array<i64: 32>, scalar_prefetch = 0 : i64, scratch_operands = 0 : i64, tpu.core_type = #tpu.core_type<tc>, window_params = [{transform_indices = @transform_0, window_bounds = array<i64: 1, 512, 128>}, {transform_indices = @transform_1, window_bounds = array<i64: 1, 512, 128>}, {pipeline_mode = #tpu.pipeline_mode<synchronous>, transform_indices = @transform_2, window_bounds = array<i64: 128, 256>}, {pipeline_mode = #tpu.pipeline_mode<synchronous>, transform_indices = @transform_3, window_bounds = array<i64: 1, 256>}, {pipeline_mode = #tpu.pipeline_mode<synchronous>, transform_indices = @transform_4, window_bounds = array<i64: 256, 512>}, {pipeline_mode = #tpu.pipeline_mode<synchronous>, transform_indices = @transform_5, window_bounds = array<i64: 1, 512>}, {transform_indices = @transform_6, window_bounds = array<i64: 1, 1, 512>}, {transform_indices = @transform_7, window_bounds = array<i64: 1, 1, 512>}, {transform_indices = @transform_8, window_bounds = array<i64: 512, 256>}]} {
    %get3A = arith.constant 0 : index
    %get3A_0 = arith.constant 0 : index
    %get3A_1 = arith.constant 0 : index
    %get3A_2 = vector.load %arg1[%get3A, %get3A_0, %get3A_1] : memref<1x512x128xf32, #tpu.memory_space<vmem>>, vector<1x512x128xf32>
    %get3A_3 = vector.shape_cast %get3A_2 : vector<1x512x128xf32> to vector<512x128xf32>
    %get3A_4 = arith.constant 0 : index
    %get3A_5 = arith.constant 0 : index
    %get3A_6 = vector.load %arg3[%get3A_4, %get3A_5] : memref<128x256xf32, #tpu.memory_space<vmem>>, vector<128x256xf32>
    %dot_general3A = arith.constant dense<0.000000e+00> : vector<512x256xf32>
    %dot_general3A_7 = tpu.matmul %get3A_3, %get3A_6, %dot_general3A {dimension_numbers = #tpu.dot_dimension_numbers<[1], [0], [0], [1], [0, 0, 1, 1], [], []>, transpose_lhs_hint = false} : vector<512x128xf32>, vector<128x256xf32>, vector<512x256xf32> -> vector<512x256xf32>
    %get3A_8 = arith.constant 0 : index
    %get3A_9 = arith.constant 0 : index
    %get3A_10 = vector.load %arg4[%get3A_8, %get3A_9] : memref<1x256xf32, #tpu.memory_space<vmem>>, vector<1x256xf32>
    %add3A = vector.broadcast %get3A_10 : vector<1x256xf32> to vector<512x256xf32>
    %add3A_11 = arith.addf %dot_general3A_7, %add3A : vector<512x256xf32>
    %max3A = arith.constant 0.000000e+00 : f32
    %max3A_12 = vector.broadcast %max3A : f32 to vector<512x256xf32>
    %max3A_13 = arith.maximumf %add3A_11, %max3A_12 : vector<512x256xf32>
    %get3A_14 = arith.constant 0 : index
    %get3A_15 = arith.constant 0 : index
    %get3A_16 = vector.load %arg5[%get3A_14, %get3A_15] : memref<256x512xf32, #tpu.memory_space<vmem>>, vector<256x512xf32>
    %dot_general3A_17 = arith.constant dense<0.000000e+00> : vector<512x512xf32>
    %dot_general3A_18 = tpu.matmul %max3A_13, %get3A_16, %dot_general3A_17 {dimension_numbers = #tpu.dot_dimension_numbers<[1], [0], [0], [1], [0, 0, 1, 1], [], []>, transpose_lhs_hint = false} : vector<512x256xf32>, vector<256x512xf32>, vector<512x512xf32> -> vector<512x512xf32>
    %get3A_19 = arith.constant 0 : index
    %get3A_20 = arith.constant 0 : index
    %get3A_21 = vector.load %arg6[%get3A_19, %get3A_20] : memref<1x512xf32, #tpu.memory_space<vmem>>, vector<1x512xf32>
    %add3A_22 = vector.broadcast %get3A_21 : vector<1x512xf32> to vector<512x512xf32>
    %add3A_23 = arith.addf %dot_general3A_18, %add3A_22 : vector<512x512xf32>
    %div3A = arith.constant 1.000000e-01 : f32
    %div3A_24 = vector.broadcast %div3A : f32 to vector<512x512xf32>
    %div3A_25 = arith.divf %add3A_23, %div3A_24 : vector<512x512xf32>
    %reduce_max3A = arith.constant dense<0xFF800000> : vector<512xf32>
    %reduce_max3A_26 = vector.multi_reduction <maximumf>, %div3A_25, %reduce_max3A [1] : vector<512x512xf32> to vector<512xf32>
    %broadcast_in_dim3A = vector.shape_cast %reduce_max3A_26 : vector<512xf32> to vector<512x1xf32>
    %sub3A = vector.broadcast %broadcast_in_dim3A : vector<512x1xf32> to vector<512x512xf32>
    %sub3A_27 = arith.subf %div3A_25, %sub3A : vector<512x512xf32>
    %exp3A = math.exp %sub3A_27 : vector<512x512xf32>
    %reduce_sum3A = arith.constant dense<0.000000e+00> : vector<512xf32>
    %reduce_sum3A_28 = vector.multi_reduction <add>, %exp3A, %reduce_sum3A [1] : vector<512x512xf32> to vector<512xf32>
    %broadcast_in_dim3A_29 = vector.shape_cast %reduce_sum3A_28 : vector<512xf32> to vector<512x1xf32>
    %log3A = math.log %broadcast_in_dim3A_29 : vector<512x1xf32>
    %add3A_30 = arith.addf %log3A, %broadcast_in_dim3A : vector<512x1xf32>
    %sub3A_31 = vector.broadcast %add3A_30 : vector<512x1xf32> to vector<512x512xf32>
    %sub3A_32 = arith.subf %div3A_25, %sub3A_31 : vector<512x512xf32>
    %reduce_max3A_33 = arith.constant dense<0xFF800000> : vector<512xf32>
    %reduce_max3A_34 = vector.multi_reduction <maximumf>, %sub3A_32, %reduce_max3A_33 [0] : vector<512x512xf32> to vector<512xf32>
    %broadcast_in_dim3A_35 = vector.shape_cast %reduce_max3A_34 : vector<512xf32> to vector<1x512xf32>
    %sub3A_36 = vector.broadcast %broadcast_in_dim3A_35 : vector<1x512xf32> to vector<512x512xf32>
    %sub3A_37 = arith.subf %sub3A_32, %sub3A_36 : vector<512x512xf32>
    %exp3A_38 = math.exp %sub3A_37 : vector<512x512xf32>
    %reduce_sum3A_39 = arith.constant dense<0.000000e+00> : vector<512xf32>
    %reduce_sum3A_40 = vector.multi_reduction <add>, %exp3A_38, %reduce_sum3A_39 [0] : vector<512x512xf32> to vector<512xf32>
    %broadcast_in_dim3A_41 = vector.shape_cast %reduce_sum3A_40 : vector<512xf32> to vector<1x512xf32>
    %log3A_42 = math.log %broadcast_in_dim3A_41 : vector<1x512xf32>
    %add3A_43 = arith.addf %log3A_42, %broadcast_in_dim3A_35 : vector<1x512xf32>
    %sub3A_44 = vector.broadcast %add3A_43 : vector<1x512xf32> to vector<512x512xf32>
    %sub3A_45 = arith.subf %sub3A_32, %sub3A_44 : vector<512x512xf32>
    %reduce_max3A_46 = arith.constant dense<0xFF800000> : vector<512xf32>
    %reduce_max3A_47 = vector.multi_reduction <maximumf>, %sub3A_45, %reduce_max3A_46 [1] : vector<512x512xf32> to vector<512xf32>
    %broadcast_in_dim3A_48 = vector.shape_cast %reduce_max3A_47 : vector<512xf32> to vector<512x1xf32>
    %sub3A_49 = vector.broadcast %broadcast_in_dim3A_48 : vector<512x1xf32> to vector<512x512xf32>
    %sub3A_50 = arith.subf %sub3A_45, %sub3A_49 : vector<512x512xf32>
    %exp3A_51 = math.exp %sub3A_50 : vector<512x512xf32>
    %reduce_sum3A_52 = arith.constant dense<0.000000e+00> : vector<512xf32>
    %reduce_sum3A_53 = vector.multi_reduction <add>, %exp3A_51, %reduce_sum3A_52 [1] : vector<512x512xf32> to vector<512xf32>
    %broadcast_in_dim3A_54 = vector.shape_cast %reduce_sum3A_53 : vector<512xf32> to vector<512x1xf32>
    %log3A_55 = math.log %broadcast_in_dim3A_54 : vector<512x1xf32>
    %add3A_56 = arith.addf %log3A_55, %broadcast_in_dim3A_48 : vector<512x1xf32>
    %sub3A_57 = vector.broadcast %add3A_56 : vector<512x1xf32> to vector<512x512xf32>
    %sub3A_58 = arith.subf %sub3A_45, %sub3A_57 : vector<512x512xf32>
    %reduce_max3A_59 = arith.constant dense<0xFF800000> : vector<512xf32>
    %reduce_max3A_60 = vector.multi_reduction <maximumf>, %sub3A_58, %reduce_max3A_59 [0] : vector<512x512xf32> to vector<512xf32>
    %broadcast_in_dim3A_61 = vector.shape_cast %reduce_max3A_60 : vector<512xf32> to vector<1x512xf32>
    %sub3A_62 = vector.broadcast %broadcast_in_dim3A_61 : vector<1x512xf32> to vector<512x512xf32>
    %sub3A_63 = arith.subf %sub3A_58, %sub3A_62 : vector<512x512xf32>
    %exp3A_64 = math.exp %sub3A_63 : vector<512x512xf32>
    %reduce_sum3A_65 = arith.constant dense<0.000000e+00> : vector<512xf32>
    %reduce_sum3A_66 = vector.multi_reduction <add>, %exp3A_64, %reduce_sum3A_65 [0] : vector<512x512xf32> to vector<512xf32>
    %broadcast_in_dim3A_67 = vector.shape_cast %reduce_sum3A_66 : vector<512xf32> to vector<1x512xf32>
    %log3A_68 = math.log %broadcast_in_dim3A_67 : vector<1x512xf32>
    %add3A_69 = arith.addf %log3A_68, %broadcast_in_dim3A_61 : vector<1x512xf32>
    %sub3A_70 = vector.broadcast %add3A_69 : vector<1x512xf32> to vector<512x512xf32>
    %sub3A_71 = arith.subf %sub3A_58, %sub3A_70 : vector<512x512xf32>
    %reduce_max3A_72 = arith.constant dense<0xFF800000> : vector<512xf32>
    %reduce_max3A_73 = vector.multi_reduction <maximumf>, %sub3A_71, %reduce_max3A_72 [1] : vector<512x512xf32> to vector<512xf32>
    %broadcast_in_dim3A_74 = vector.shape_cast %reduce_max3A_73 : vector<512xf32> to vector<512x1xf32>
    %sub3A_75 = vector.broadcast %broadcast_in_dim3A_74 : vector<512x1xf32> to vector<512x512xf32>
    %sub3A_76 = arith.subf %sub3A_71, %sub3A_75 : vector<512x512xf32>
    %exp3A_77 = math.exp %sub3A_76 : vector<512x512xf32>
    %reduce_sum3A_78 = arith.constant dense<0.000000e+00> : vector<512xf32>
    %reduce_sum3A_79 = vector.multi_reduction <add>, %exp3A_77, %reduce_sum3A_78 [1] : vector<512x512xf32> to vector<512xf32>
    %broadcast_in_dim3A_80 = vector.shape_cast %reduce_sum3A_79 : vector<512xf32> to vector<512x1xf32>
    %log3A_81 = math.log %broadcast_in_dim3A_80 : vector<512x1xf32>
    %add3A_82 = arith.addf %log3A_81, %broadcast_in_dim3A_74 : vector<512x1xf32>
    %sub3A_83 = vector.broadcast %add3A_82 : vector<512x1xf32> to vector<512x512xf32>
    %sub3A_84 = arith.subf %sub3A_71, %sub3A_83 : vector<512x512xf32>
    %reduce_max3A_85 = arith.constant dense<0xFF800000> : vector<512xf32>
    %reduce_max3A_86 = vector.multi_reduction <maximumf>, %sub3A_84, %reduce_max3A_85 [0] : vector<512x512xf32> to vector<512xf32>
    %broadcast_in_dim3A_87 = vector.shape_cast %reduce_max3A_86 : vector<512xf32> to vector<1x512xf32>
    %sub3A_88 = vector.broadcast %broadcast_in_dim3A_87 : vector<1x512xf32> to vector<512x512xf32>
    %sub3A_89 = arith.subf %sub3A_84, %sub3A_88 : vector<512x512xf32>
    %exp3A_90 = math.exp %sub3A_89 : vector<512x512xf32>
    %reduce_sum3A_91 = arith.constant dense<0.000000e+00> : vector<512xf32>
    %reduce_sum3A_92 = vector.multi_reduction <add>, %exp3A_90, %reduce_sum3A_91 [0] : vector<512x512xf32> to vector<512xf32>
    %broadcast_in_dim3A_93 = vector.shape_cast %reduce_sum3A_92 : vector<512xf32> to vector<1x512xf32>
    %log3A_94 = math.log %broadcast_in_dim3A_93 : vector<1x512xf32>
    %add3A_95 = arith.addf %log3A_94, %broadcast_in_dim3A_87 : vector<1x512xf32>
    %sub3A_96 = vector.broadcast %add3A_95 : vector<1x512xf32> to vector<512x512xf32>
    %sub3A_97 = arith.subf %sub3A_84, %sub3A_96 : vector<512x512xf32>
    %reduce_max3A_98 = arith.constant dense<0xFF800000> : vector<512xf32>
    %reduce_max3A_99 = vector.multi_reduction <maximumf>, %sub3A_97, %reduce_max3A_98 [1] : vector<512x512xf32> to vector<512xf32>
    %broadcast_in_dim3A_100 = vector.shape_cast %reduce_max3A_99 : vector<512xf32> to vector<512x1xf32>
    %sub3A_101 = vector.broadcast %broadcast_in_dim3A_100 : vector<512x1xf32> to vector<512x512xf32>
    %sub3A_102 = arith.subf %sub3A_97, %sub3A_101 : vector<512x512xf32>
    %exp3A_103 = math.exp %sub3A_102 : vector<512x512xf32>
    %reduce_sum3A_104 = arith.constant dense<0.000000e+00> : vector<512xf32>
    %reduce_sum3A_105 = vector.multi_reduction <add>, %exp3A_103, %reduce_sum3A_104 [1] : vector<512x512xf32> to vector<512xf32>
    %broadcast_in_dim3A_106 = vector.shape_cast %reduce_sum3A_105 : vector<512xf32> to vector<512x1xf32>
    %log3A_107 = math.log %broadcast_in_dim3A_106 : vector<512x1xf32>
    %add3A_108 = arith.addf %log3A_107, %broadcast_in_dim3A_100 : vector<512x1xf32>
    %sub3A_109 = vector.broadcast %add3A_108 : vector<512x1xf32> to vector<512x512xf32>
    %sub3A_110 = arith.subf %sub3A_97, %sub3A_109 : vector<512x512xf32>
    %reduce_max3A_111 = arith.constant dense<0xFF800000> : vector<512xf32>
    %reduce_max3A_112 = vector.multi_reduction <maximumf>, %sub3A_110, %reduce_max3A_111 [0] : vector<512x512xf32> to vector<512xf32>
    %broadcast_in_dim3A_113 = vector.shape_cast %reduce_max3A_112 : vector<512xf32> to vector<1x512xf32>
    %sub3A_114 = vector.broadcast %broadcast_in_dim3A_113 : vector<1x512xf32> to vector<512x512xf32>
    %sub3A_115 = arith.subf %sub3A_110, %sub3A_114 : vector<512x512xf32>
    %exp3A_116 = math.exp %sub3A_115 : vector<512x512xf32>
    %reduce_sum3A_117 = arith.constant dense<0.000000e+00> : vector<512xf32>
    %reduce_sum3A_118 = vector.multi_reduction <add>, %exp3A_116, %reduce_sum3A_117 [0] : vector<512x512xf32> to vector<512xf32>
    %broadcast_in_dim3A_119 = vector.shape_cast %reduce_sum3A_118 : vector<512xf32> to vector<1x512xf32>
    %log3A_120 = math.log %broadcast_in_dim3A_119 : vector<1x512xf32>
    %add3A_121 = arith.addf %log3A_120, %broadcast_in_dim3A_113 : vector<1x512xf32>
    %sub3A_122 = vector.broadcast %add3A_121 : vector<1x512xf32> to vector<512x512xf32>
    %sub3A_123 = arith.subf %sub3A_110, %sub3A_122 : vector<512x512xf32>
    %reduce_max3A_124 = arith.constant dense<0xFF800000> : vector<512xf32>
    %reduce_max3A_125 = vector.multi_reduction <maximumf>, %sub3A_123, %reduce_max3A_124 [1] : vector<512x512xf32> to vector<512xf32>
    %broadcast_in_dim3A_126 = vector.shape_cast %reduce_max3A_125 : vector<512xf32> to vector<512x1xf32>
    %sub3A_127 = vector.broadcast %broadcast_in_dim3A_126 : vector<512x1xf32> to vector<512x512xf32>
    %sub3A_128 = arith.subf %sub3A_123, %sub3A_127 : vector<512x512xf32>
    %exp3A_129 = math.exp %sub3A_128 : vector<512x512xf32>
    %reduce_sum3A_130 = arith.constant dense<0.000000e+00> : vector<512xf32>
    %reduce_sum3A_131 = vector.multi_reduction <add>, %exp3A_129, %reduce_sum3A_130 [1] : vector<512x512xf32> to vector<512xf32>
    %broadcast_in_dim3A_132 = vector.shape_cast %reduce_sum3A_131 : vector<512xf32> to vector<512x1xf32>
    %log3A_133 = math.log %broadcast_in_dim3A_132 : vector<512x1xf32>
    %add3A_134 = arith.addf %log3A_133, %broadcast_in_dim3A_126 : vector<512x1xf32>
    %sub3A_135 = vector.broadcast %add3A_134 : vector<512x1xf32> to vector<512x512xf32>
    %sub3A_136 = arith.subf %sub3A_123, %sub3A_135 : vector<512x512xf32>
    %reduce_max3A_137 = arith.constant dense<0xFF800000> : vector<512xf32>
    %reduce_max3A_138 = vector.multi_reduction <maximumf>, %sub3A_136, %reduce_max3A_137 [0] : vector<512x512xf32> to vector<512xf32>
    %broadcast_in_dim3A_139 = vector.shape_cast %reduce_max3A_138 : vector<512xf32> to vector<1x512xf32>
    %sub3A_140 = vector.broadcast %broadcast_in_dim3A_139 : vector<1x512xf32> to vector<512x512xf32>
    %sub3A_141 = arith.subf %sub3A_136, %sub3A_140 : vector<512x512xf32>
    %exp3A_142 = math.exp %sub3A_141 : vector<512x512xf32>
    %reduce_sum3A_143 = arith.constant dense<0.000000e+00> : vector<512xf32>
    %reduce_sum3A_144 = vector.multi_reduction <add>, %exp3A_142, %reduce_sum3A_143 [0] : vector<512x512xf32> to vector<512xf32>
    %broadcast_in_dim3A_145 = vector.shape_cast %reduce_sum3A_144 : vector<512xf32> to vector<1x512xf32>
    %log3A_146 = math.log %broadcast_in_dim3A_145 : vector<1x512xf32>
    %add3A_147 = arith.addf %log3A_146, %broadcast_in_dim3A_139 : vector<1x512xf32>
    %sub3A_148 = vector.broadcast %add3A_147 : vector<1x512xf32> to vector<512x512xf32>
    %sub3A_149 = arith.subf %sub3A_136, %sub3A_148 : vector<512x512xf32>
    %reduce_max3A_150 = arith.constant dense<0xFF800000> : vector<512xf32>
    %reduce_max3A_151 = vector.multi_reduction <maximumf>, %sub3A_149, %reduce_max3A_150 [1] : vector<512x512xf32> to vector<512xf32>
    %broadcast_in_dim3A_152 = vector.shape_cast %reduce_max3A_151 : vector<512xf32> to vector<512x1xf32>
    %sub3A_153 = vector.broadcast %broadcast_in_dim3A_152 : vector<512x1xf32> to vector<512x512xf32>
    %sub3A_154 = arith.subf %sub3A_149, %sub3A_153 : vector<512x512xf32>
    %exp3A_155 = math.exp %sub3A_154 : vector<512x512xf32>
    %reduce_sum3A_156 = arith.constant dense<0.000000e+00> : vector<512xf32>
    %reduce_sum3A_157 = vector.multi_reduction <add>, %exp3A_155, %reduce_sum3A_156 [1] : vector<512x512xf32> to vector<512xf32>
    %broadcast_in_dim3A_158 = vector.shape_cast %reduce_sum3A_157 : vector<512xf32> to vector<512x1xf32>
    %log3A_159 = math.log %broadcast_in_dim3A_158 : vector<512x1xf32>
    %add3A_160 = arith.addf %log3A_159, %broadcast_in_dim3A_152 : vector<512x1xf32>
    %sub3A_161 = vector.broadcast %add3A_160 : vector<512x1xf32> to vector<512x512xf32>
    %sub3A_162 = arith.subf %sub3A_149, %sub3A_161 : vector<512x512xf32>
    %reduce_max3A_163 = arith.constant dense<0xFF800000> : vector<512xf32>
    %reduce_max3A_164 = vector.multi_reduction <maximumf>, %sub3A_162, %reduce_max3A_163 [0] : vector<512x512xf32> to vector<512xf32>
    %broadcast_in_dim3A_165 = vector.shape_cast %reduce_max3A_164 : vector<512xf32> to vector<1x512xf32>
    %sub3A_166 = vector.broadcast %broadcast_in_dim3A_165 : vector<1x512xf32> to vector<512x512xf32>
    %sub3A_167 = arith.subf %sub3A_162, %sub3A_166 : vector<512x512xf32>
    %exp3A_168 = math.exp %sub3A_167 : vector<512x512xf32>
    %reduce_sum3A_169 = arith.constant dense<0.000000e+00> : vector<512xf32>
    %reduce_sum3A_170 = vector.multi_reduction <add>, %exp3A_168, %reduce_sum3A_169 [0] : vector<512x512xf32> to vector<512xf32>
    %broadcast_in_dim3A_171 = vector.shape_cast %reduce_sum3A_170 : vector<512xf32> to vector<1x512xf32>
    %log3A_172 = math.log %broadcast_in_dim3A_171 : vector<1x512xf32>
    %add3A_173 = arith.addf %log3A_172, %broadcast_in_dim3A_165 : vector<1x512xf32>
    %sub3A_174 = vector.broadcast %add3A_173 : vector<1x512xf32> to vector<512x512xf32>
    %sub3A_175 = arith.subf %sub3A_162, %sub3A_174 : vector<512x512xf32>
    %reduce_max3A_176 = arith.constant dense<0xFF800000> : vector<512xf32>
    %reduce_max3A_177 = vector.multi_reduction <maximumf>, %sub3A_175, %reduce_max3A_176 [1] : vector<512x512xf32> to vector<512xf32>
    %broadcast_in_dim3A_178 = vector.shape_cast %reduce_max3A_177 : vector<512xf32> to vector<512x1xf32>
    %sub3A_179 = vector.broadcast %broadcast_in_dim3A_178 : vector<512x1xf32> to vector<512x512xf32>
    %sub3A_180 = arith.subf %sub3A_175, %sub3A_179 : vector<512x512xf32>
    %exp3A_181 = math.exp %sub3A_180 : vector<512x512xf32>
    %reduce_sum3A_182 = arith.constant dense<0.000000e+00> : vector<512xf32>
    %reduce_sum3A_183 = vector.multi_reduction <add>, %exp3A_181, %reduce_sum3A_182 [1] : vector<512x512xf32> to vector<512xf32>
    %broadcast_in_dim3A_184 = vector.shape_cast %reduce_sum3A_183 : vector<512xf32> to vector<512x1xf32>
    %log3A_185 = math.log %broadcast_in_dim3A_184 : vector<512x1xf32>
    %add3A_186 = arith.addf %log3A_185, %broadcast_in_dim3A_178 : vector<512x1xf32>
    %sub3A_187 = vector.broadcast %add3A_186 : vector<512x1xf32> to vector<512x512xf32>
    %sub3A_188 = arith.subf %sub3A_175, %sub3A_187 : vector<512x512xf32>
    %reduce_max3A_189 = arith.constant dense<0xFF800000> : vector<512xf32>
    %reduce_max3A_190 = vector.multi_reduction <maximumf>, %sub3A_188, %reduce_max3A_189 [0] : vector<512x512xf32> to vector<512xf32>
    %broadcast_in_dim3A_191 = vector.shape_cast %reduce_max3A_190 : vector<512xf32> to vector<1x512xf32>
    %sub3A_192 = vector.broadcast %broadcast_in_dim3A_191 : vector<1x512xf32> to vector<512x512xf32>
    %sub3A_193 = arith.subf %sub3A_188, %sub3A_192 : vector<512x512xf32>
    %exp3A_194 = math.exp %sub3A_193 : vector<512x512xf32>
    %reduce_sum3A_195 = arith.constant dense<0.000000e+00> : vector<512xf32>
    %reduce_sum3A_196 = vector.multi_reduction <add>, %exp3A_194, %reduce_sum3A_195 [0] : vector<512x512xf32> to vector<512xf32>
    %broadcast_in_dim3A_197 = vector.shape_cast %reduce_sum3A_196 : vector<512xf32> to vector<1x512xf32>
    %log3A_198 = math.log %broadcast_in_dim3A_197 : vector<1x512xf32>
    %add3A_199 = arith.addf %log3A_198, %broadcast_in_dim3A_191 : vector<1x512xf32>
    %sub3A_200 = vector.broadcast %add3A_199 : vector<1x512xf32> to vector<512x512xf32>
    %sub3A_201 = arith.subf %sub3A_188, %sub3A_200 : vector<512x512xf32>
    %reduce_max3A_202 = arith.constant dense<0xFF800000> : vector<512xf32>
    %reduce_max3A_203 = vector.multi_reduction <maximumf>, %sub3A_201, %reduce_max3A_202 [1] : vector<512x512xf32> to vector<512xf32>
    %broadcast_in_dim3A_204 = vector.shape_cast %reduce_max3A_203 : vector<512xf32> to vector<512x1xf32>
    %sub3A_205 = vector.broadcast %broadcast_in_dim3A_204 : vector<512x1xf32> to vector<512x512xf32>
    %sub3A_206 = arith.subf %sub3A_201, %sub3A_205 : vector<512x512xf32>
    %exp3A_207 = math.exp %sub3A_206 : vector<512x512xf32>
    %reduce_sum3A_208 = arith.constant dense<0.000000e+00> : vector<512xf32>
    %reduce_sum3A_209 = vector.multi_reduction <add>, %exp3A_207, %reduce_sum3A_208 [1] : vector<512x512xf32> to vector<512xf32>
    %broadcast_in_dim3A_210 = vector.shape_cast %reduce_sum3A_209 : vector<512xf32> to vector<512x1xf32>
    %log3A_211 = math.log %broadcast_in_dim3A_210 : vector<512x1xf32>
    %add3A_212 = arith.addf %log3A_211, %broadcast_in_dim3A_204 : vector<512x1xf32>
    %sub3A_213 = vector.broadcast %add3A_212 : vector<512x1xf32> to vector<512x512xf32>
    %sub3A_214 = arith.subf %sub3A_201, %sub3A_213 : vector<512x512xf32>
    %reduce_max3A_215 = arith.constant dense<0xFF800000> : vector<512xf32>
    %reduce_max3A_216 = vector.multi_reduction <maximumf>, %sub3A_214, %reduce_max3A_215 [0] : vector<512x512xf32> to vector<512xf32>
    %broadcast_in_dim3A_217 = vector.shape_cast %reduce_max3A_216 : vector<512xf32> to vector<1x512xf32>
    %sub3A_218 = vector.broadcast %broadcast_in_dim3A_217 : vector<1x512xf32> to vector<512x512xf32>
    %sub3A_219 = arith.subf %sub3A_214, %sub3A_218 : vector<512x512xf32>
    %exp3A_220 = math.exp %sub3A_219 : vector<512x512xf32>
    %reduce_sum3A_221 = arith.constant dense<0.000000e+00> : vector<512xf32>
    %reduce_sum3A_222 = vector.multi_reduction <add>, %exp3A_220, %reduce_sum3A_221 [0] : vector<512x512xf32> to vector<512xf32>
    %broadcast_in_dim3A_223 = vector.shape_cast %reduce_sum3A_222 : vector<512xf32> to vector<1x512xf32>
    %log3A_224 = math.log %broadcast_in_dim3A_223 : vector<1x512xf32>
    %add3A_225 = arith.addf %log3A_224, %broadcast_in_dim3A_217 : vector<1x512xf32>
    %sub3A_226 = vector.broadcast %add3A_225 : vector<1x512xf32> to vector<512x512xf32>
    %sub3A_227 = arith.subf %sub3A_214, %sub3A_226 : vector<512x512xf32>
    %reduce_max3A_228 = arith.constant dense<0xFF800000> : vector<512xf32>
    %reduce_max3A_229 = vector.multi_reduction <maximumf>, %sub3A_227, %reduce_max3A_228 [1] : vector<512x512xf32> to vector<512xf32>
    %broadcast_in_dim3A_230 = vector.shape_cast %reduce_max3A_229 : vector<512xf32> to vector<512x1xf32>
    %sub3A_231 = vector.broadcast %broadcast_in_dim3A_230 : vector<512x1xf32> to vector<512x512xf32>
    %sub3A_232 = arith.subf %sub3A_227, %sub3A_231 : vector<512x512xf32>
    %exp3A_233 = math.exp %sub3A_232 : vector<512x512xf32>
    %reduce_sum3A_234 = arith.constant dense<0.000000e+00> : vector<512xf32>
    %reduce_sum3A_235 = vector.multi_reduction <add>, %exp3A_233, %reduce_sum3A_234 [1] : vector<512x512xf32> to vector<512xf32>
    %broadcast_in_dim3A_236 = vector.shape_cast %reduce_sum3A_235 : vector<512xf32> to vector<512x1xf32>
    %log3A_237 = math.log %broadcast_in_dim3A_236 : vector<512x1xf32>
    %add3A_238 = arith.addf %log3A_237, %broadcast_in_dim3A_230 : vector<512x1xf32>
    %sub3A_239 = vector.broadcast %add3A_238 : vector<512x1xf32> to vector<512x512xf32>
    %sub3A_240 = arith.subf %sub3A_227, %sub3A_239 : vector<512x512xf32>
    %reduce_max3A_241 = arith.constant dense<0xFF800000> : vector<512xf32>
    %reduce_max3A_242 = vector.multi_reduction <maximumf>, %sub3A_240, %reduce_max3A_241 [0] : vector<512x512xf32> to vector<512xf32>
    %broadcast_in_dim3A_243 = vector.shape_cast %reduce_max3A_242 : vector<512xf32> to vector<1x512xf32>
    %sub3A_244 = vector.broadcast %broadcast_in_dim3A_243 : vector<1x512xf32> to vector<512x512xf32>
    %sub3A_245 = arith.subf %sub3A_240, %sub3A_244 : vector<512x512xf32>
    %exp3A_246 = math.exp %sub3A_245 : vector<512x512xf32>
    %reduce_sum3A_247 = arith.constant dense<0.000000e+00> : vector<512xf32>
    %reduce_sum3A_248 = vector.multi_reduction <add>, %exp3A_246, %reduce_sum3A_247 [0] : vector<512x512xf32> to vector<512xf32>
    %broadcast_in_dim3A_249 = vector.shape_cast %reduce_sum3A_248 : vector<512xf32> to vector<1x512xf32>
    %log3A_250 = math.log %broadcast_in_dim3A_249 : vector<1x512xf32>
    %add3A_251 = arith.addf %log3A_250, %broadcast_in_dim3A_243 : vector<1x512xf32>
    %sub3A_252 = vector.broadcast %add3A_251 : vector<1x512xf32> to vector<512x512xf32>
    %sub3A_253 = arith.subf %sub3A_240, %sub3A_252 : vector<512x512xf32>
    %reduce_max3A_254 = arith.constant dense<0xFF800000> : vector<512xf32>
    %reduce_max3A_255 = vector.multi_reduction <maximumf>, %sub3A_253, %reduce_max3A_254 [1] : vector<512x512xf32> to vector<512xf32>
    %broadcast_in_dim3A_256 = vector.shape_cast %reduce_max3A_255 : vector<512xf32> to vector<512x1xf32>
    %sub3A_257 = vector.broadcast %broadcast_in_dim3A_256 : vector<512x1xf32> to vector<512x512xf32>
    %sub3A_258 = arith.subf %sub3A_253, %sub3A_257 : vector<512x512xf32>
    %exp3A_259 = math.exp %sub3A_258 : vector<512x512xf32>
    %reduce_sum3A_260 = arith.constant dense<0.000000e+00> : vector<512xf32>
    %reduce_sum3A_261 = vector.multi_reduction <add>, %exp3A_259, %reduce_sum3A_260 [1] : vector<512x512xf32> to vector<512xf32>
    %broadcast_in_dim3A_262 = vector.shape_cast %reduce_sum3A_261 : vector<512xf32> to vector<512x1xf32>
    %log3A_263 = math.log %broadcast_in_dim3A_262 : vector<512x1xf32>
    %add3A_264 = arith.addf %log3A_263, %broadcast_in_dim3A_256 : vector<512x1xf32>
    %sub3A_265 = vector.broadcast %add3A_264 : vector<512x1xf32> to vector<512x512xf32>
    %sub3A_266 = arith.subf %sub3A_253, %sub3A_265 : vector<512x512xf32>
    %reduce_max3A_267 = arith.constant dense<0xFF800000> : vector<512xf32>
    %reduce_max3A_268 = vector.multi_reduction <maximumf>, %sub3A_266, %reduce_max3A_267 [0] : vector<512x512xf32> to vector<512xf32>
    %broadcast_in_dim3A_269 = vector.shape_cast %reduce_max3A_268 : vector<512xf32> to vector<1x512xf32>
    %sub3A_270 = vector.broadcast %broadcast_in_dim3A_269 : vector<1x512xf32> to vector<512x512xf32>
    %sub3A_271 = arith.subf %sub3A_266, %sub3A_270 : vector<512x512xf32>
    %exp3A_272 = math.exp %sub3A_271 : vector<512x512xf32>
    %reduce_sum3A_273 = arith.constant dense<0.000000e+00> : vector<512xf32>
    %reduce_sum3A_274 = vector.multi_reduction <add>, %exp3A_272, %reduce_sum3A_273 [0] : vector<512x512xf32> to vector<512xf32>
    %broadcast_in_dim3A_275 = vector.shape_cast %reduce_sum3A_274 : vector<512xf32> to vector<1x512xf32>
    %log3A_276 = math.log %broadcast_in_dim3A_275 : vector<1x512xf32>
    %add3A_277 = arith.addf %log3A_276, %broadcast_in_dim3A_269 : vector<1x512xf32>
    %sub3A_278 = vector.broadcast %add3A_277 : vector<1x512xf32> to vector<512x512xf32>
    %sub3A_279 = arith.subf %sub3A_266, %sub3A_278 : vector<512x512xf32>
    %exp3A_280 = math.exp %sub3A_279 : vector<512x512xf32>
    %iota3A = tpu.iota {dimensions = array<i32: 1>} : vector<512x512xi32>
    %iota3A_281 = tpu.iota {dimensions = array<i32: 0>} : vector<512x512xi32>
    %reduce_max3A_282 = arith.constant dense<0xFF800000> : vector<512xf32>
    %reduce_max3A_283 = vector.multi_reduction <maximumf>, %exp3A_280, %reduce_max3A_282 [1] : vector<512x512xf32> to vector<512xf32>
    %broadcast_in_dim3A_284 = vector.shape_cast %reduce_max3A_283 : vector<512xf32> to vector<512x1xf32>
    %eq3A = vector.broadcast %broadcast_in_dim3A_284 : vector<512x1xf32> to vector<512x512xf32>
    %eq3A_285 = arith.cmpf oeq, %exp3A_280, %eq3A : vector<512x512xf32>
    %jit3A = arith.constant 512 : i32
    %broadcast_in_dim3A_286 = vector.broadcast %jit3A : i32 to vector<512x512xi32>
    %select_n3A = arith.select %eq3A_285, %iota3A, %broadcast_in_dim3A_286 : vector<512x512xi1>, vector<512x512xi32>
    %reduce_min3A = arith.constant dense<2147483647> : vector<512xi32>
    %reduce_min3A_287 = vector.multi_reduction <minsi>, %select_n3A, %reduce_min3A [1] : vector<512x512xi32> to vector<512xi32>
    %broadcast_in_dim3A_288 = vector.shape_cast %reduce_min3A_287 : vector<512xi32> to vector<512x1xi32>
    %eq3A_289 = vector.broadcast %broadcast_in_dim3A_288 : vector<512x1xi32> to vector<512x512xi32>
    %eq3A_290 = arith.cmpi eq, %eq3A_289, %iota3A : vector<512x512xi32>
    %jit3A_291 = arith.constant -1 : i32
    %broadcast_in_dim3A_292 = vector.broadcast %jit3A_291 : i32 to vector<512x512xi32>
    %select_n3A_293 = arith.select %eq3A_290, %iota3A_281, %broadcast_in_dim3A_292 : vector<512x512xi1>, vector<512x512xi32>
    %reduce_max3A_294 = arith.constant dense<-2147483648> : vector<512xi32>
    %reduce_max3A_295 = vector.multi_reduction <maxsi>, %select_n3A_293, %reduce_max3A_294 [0] : vector<512x512xi32> to vector<512xi32>
    %broadcast_in_dim3A_296 = vector.shape_cast %reduce_max3A_295 : vector<512xi32> to vector<1x512xi32>
    %eq3A_297 = vector.broadcast %broadcast_in_dim3A_296 : vector<1x512xi32> to vector<512x512xi32>
    %eq3A_298 = arith.cmpi eq, %eq3A_297, %iota3A_281 : vector<512x512xi32>
    %and3A = arith.andi %eq3A_290, %eq3A_298 : vector<512x512xi1>
    %jit3A_299 = arith.constant 1 : i32
    %jit3A_300 = arith.constant 0 : i32
    %broadcast_in_dim3A_301 = vector.broadcast %jit3A_299 : i32 to vector<512x512xi32>
    %broadcast_in_dim3A_302 = vector.broadcast %jit3A_300 : i32 to vector<512x512xi32>
    %select_n3A_303 = arith.select %and3A, %broadcast_in_dim3A_301, %broadcast_in_dim3A_302 : vector<512x512xi1>, vector<512x512xi32>
    %reduce_max3A_304 = arith.constant dense<-2147483648> : vector<512xi32>
    %reduce_max3A_305 = vector.multi_reduction <maxsi>, %select_n3A_303, %reduce_max3A_304 [1] : vector<512x512xi32> to vector<512xi32>
    %sub3A_306 = arith.constant 1 : i32
    %sub3A_307 = vector.broadcast %sub3A_306 : i32 to vector<512xi32>
    %sub3A_308 = arith.subi %sub3A_307, %reduce_max3A_305 : vector<512xi32>
    %convert_element_type3A = arith.sitofp %sub3A_308 : vector<512xi32> to vector<512xf32>
    %broadcast_in_dim3A_309 = vector.shape_cast %convert_element_type3A : vector<512xf32> to vector<512x1xf32>
    %lt3A = arith.constant 0 : i32
    %lt3A_310 = vector.broadcast %lt3A : i32 to vector<512xi32>
    %lt3A_311 = arith.cmpi slt, %reduce_max3A_295, %lt3A_310 : vector<512xi32>
    %convert_element_type3A_312 = arith.extui %lt3A_311 : vector<512xi1> to vector<512xi32>
    %convert_element_type3A_313 = arith.sitofp %convert_element_type3A_312 : vector<512xi32> to vector<512xf32>
    %broadcast_in_dim3A_314 = vector.shape_cast %convert_element_type3A_313 : vector<512xf32> to vector<512x1xf32>
    %ge3A = arith.cmpi sge, %iota3A_281, %iota3A : vector<512x512xi32>
    %convert_element_type3A_315 = arith.extui %ge3A : vector<512x512xi1> to vector<512x512xi32>
    %convert_element_type3A_316 = arith.sitofp %convert_element_type3A_315 : vector<512x512xi32> to vector<512x512xf32>
    %dot_general3A_317 = arith.constant dense<0.000000e+00> : vector<512x1xf32>
    %dot_general3A_318 = tpu.matmul %convert_element_type3A_316, %broadcast_in_dim3A_309, %dot_general3A_317 {dimension_numbers = #tpu.dot_dimension_numbers<[1], [0], [0], [1], [0, 0, 1, 1], [], []>, transpose_lhs_hint = false} : vector<512x512xf32>, vector<512x1xf32>, vector<512x1xf32> -> vector<512x1xf32>
    %sub3A_319 = arith.subf %dot_general3A_318, %broadcast_in_dim3A_309 : vector<512x1xf32>
    %dot_general3A_320 = arith.constant dense<0.000000e+00> : vector<512x1xf32>
    %dot_general3A_321 = tpu.matmul %convert_element_type3A_316, %broadcast_in_dim3A_314, %dot_general3A_320 {dimension_numbers = #tpu.dot_dimension_numbers<[1], [0], [0], [1], [0, 0, 1, 1], [], []>, transpose_lhs_hint = false} : vector<512x512xf32>, vector<512x1xf32>, vector<512x1xf32> -> vector<512x1xf32>
    %sub3A_322 = arith.subf %dot_general3A_321, %broadcast_in_dim3A_314 : vector<512x1xf32>
    %squeeze3A = vector.shape_cast %sub3A_322 : vector<512x1xf32> to vector<512xf32>
    %broadcast_in_dim3A_323 = vector.shape_cast %squeeze3A : vector<512xf32> to vector<512x1xf32>
    %squeeze3A_324 = vector.shape_cast %sub3A_319 : vector<512x1xf32> to vector<512xf32>
    %broadcast_in_dim3A_325 = vector.shape_cast %squeeze3A_324 : vector<512xf32> to vector<1x512xf32>
    %eq3A_326 = vector.broadcast %broadcast_in_dim3A_323 : vector<512x1xf32> to vector<512x512xf32>
    %eq3A_327 = vector.broadcast %broadcast_in_dim3A_325 : vector<1x512xf32> to vector<512x512xf32>
    %eq3A_328 = arith.cmpf oeq, %eq3A_326, %eq3A_327 : vector<512x512xf32>
    %squeeze3A_329 = vector.shape_cast %broadcast_in_dim3A_314 : vector<512x1xf32> to vector<512xf32>
    %broadcast_in_dim3A_330 = vector.shape_cast %squeeze3A_329 : vector<512xf32> to vector<512x1xf32>
    %eq3A_331 = arith.constant 1.000000e+00 : f32
    %eq3A_332 = vector.broadcast %eq3A_331 : f32 to vector<512x1xf32>
    %eq3A_333 = arith.cmpf oeq, %broadcast_in_dim3A_330, %eq3A_332 : vector<512x1xf32>
    %and3A_334 = vector.broadcast %eq3A_333 : vector<512x1xi1> to vector<512x512xi1>
    %and3A_335 = arith.andi %eq3A_328, %and3A_334 : vector<512x512xi1>
    %squeeze3A_336 = vector.shape_cast %broadcast_in_dim3A_309 : vector<512x1xf32> to vector<512xf32>
    %broadcast_in_dim3A_337 = vector.shape_cast %squeeze3A_336 : vector<512xf32> to vector<1x512xf32>
    %eq3A_338 = arith.constant 1.000000e+00 : f32
    %eq3A_339 = vector.broadcast %eq3A_338 : f32 to vector<1x512xf32>
    %eq3A_340 = arith.cmpf oeq, %broadcast_in_dim3A_337, %eq3A_339 : vector<1x512xf32>
    %and3A_341 = vector.broadcast %eq3A_340 : vector<1x512xi1> to vector<512x512xi1>
    %and3A_342 = arith.andi %and3A_335, %and3A_341 : vector<512x512xi1>
    %jit3A_343 = arith.constant -1 : i32
    %broadcast_in_dim3A_344 = vector.broadcast %jit3A_343 : i32 to vector<512x512xi32>
    %select_n3A_345 = arith.select %and3A_342, %iota3A, %broadcast_in_dim3A_344 : vector<512x512xi1>, vector<512x512xi32>
    %reduce_max3A_346 = arith.constant dense<-2147483648> : vector<512xi32>
    %reduce_max3A_347 = vector.multi_reduction <maxsi>, %select_n3A_345, %reduce_max3A_346 [1] : vector<512x512xi32> to vector<512xi32>
    %ge3A_348 = arith.constant 0 : i32
    %ge3A_349 = vector.broadcast %ge3A_348 : i32 to vector<512xi32>
    %ge3A_350 = arith.cmpi sge, %reduce_max3A_295, %ge3A_349 : vector<512xi32>
    %select_n3A_351 = arith.select %ge3A_350, %reduce_max3A_295, %reduce_max3A_347 : vector<512xi1>, vector<512xi32>
    %swap3A = arith.constant 0 : index
    %swap3A_352 = arith.constant 0 : index
    %swap3A_353 = arith.constant 0 : index
    %swap3A_354 = vector.load %arg7[%swap3A, %swap3A_352, %swap3A_353] : memref<1x1x512xi32, #tpu.memory_space<vmem>>, vector<1x1x512xi32>
    %swap3A_355 = vector.shape_cast %swap3A_354 : vector<1x1x512xi32> to vector<512xi32>
    %swap3A_356 = vector.shape_cast %reduce_min3A_287 : vector<512xi32> to vector<1x1x512xi32>
    tpu.vector_store %arg7[%swap3A, %swap3A_352, %swap3A_353], %swap3A_356 {strides = array<i32>} : memref<1x1x512xi32, #tpu.memory_space<vmem>>, vector<1x1x512xi32>,
    %mul3A = arith.constant 512 : i32
    %mul3A_357 = arith.muli %arg0, %mul3A : i32
    %add3A_358 = vector.broadcast %mul3A_357 : i32 to vector<512xi32>
    %add3A_359 = arith.addi %add3A_358, %select_n3A_351 : vector<512xi32>
    %swap3A_360 = arith.constant 0 : index
    %swap3A_361 = arith.constant 0 : index
    %swap3A_362 = arith.constant 0 : index
    %swap3A_363 = vector.load %arg8[%swap3A_360, %swap3A_361, %swap3A_362] : memref<1x1x512xi32, #tpu.memory_space<vmem>>, vector<1x1x512xi32>
    %swap3A_364 = vector.shape_cast %swap3A_363 : vector<1x1x512xi32> to vector<512xi32>
    %swap3A_365 = vector.shape_cast %add3A_359 : vector<512xi32> to vector<1x1x512xi32>
    tpu.vector_store %arg8[%swap3A_360, %swap3A_361, %swap3A_362], %swap3A_365 {strides = array<i32>} : memref<1x1x512xi32, #tpu.memory_space<vmem>>, vector<1x1x512xi32>,
    %convert_element_type3A_366 = arith.sitofp %reduce_max3A_305 : vector<512xi32> to vector<512xf32>
    %broadcast_in_dim3A_367 = vector.shape_cast %convert_element_type3A_366 : vector<512xf32> to vector<512x1xf32>
    %mul3A_368 = vector.broadcast %broadcast_in_dim3A_367 : vector<512x1xf32> to vector<512x128xf32>
    %mul3A_369 = arith.mulf %get3A_3, %mul3A_368 : vector<512x128xf32>
    %swap3A_370 = arith.constant 0 : index
    %swap3A_371 = arith.constant 0 : index
    %swap3A_372 = vector.load %arg9[%swap3A_370, %swap3A_371] : memref<512x256xf32, #tpu.memory_space<vmem>>, vector<512x128xf32>
    tpu.vector_store %arg9[%swap3A_370, %swap3A_371], %mul3A_369 {strides = array<i32>} : memref<512x256xf32, #tpu.memory_space<vmem>>, vector<512x128xf32>,
    %get3A_373 = arith.constant 0 : index
    %get3A_374 = arith.constant 0 : index
    %get3A_375 = arith.constant 0 : index
    %get3A_376 = vector.load %arg2[%get3A_373, %get3A_374, %get3A_375] : memref<1x512x128xf32, #tpu.memory_space<vmem>>, vector<1x512x128xf32>
    %get3A_377 = vector.shape_cast %get3A_376 : vector<1x512x128xf32> to vector<512x128xf32>
    %mul3A_378 = vector.broadcast %broadcast_in_dim3A_367 : vector<512x1xf32> to vector<512x128xf32>
    %mul3A_379 = arith.mulf %get3A_377, %mul3A_378 : vector<512x128xf32>
    %swap3A_380 = arith.constant 0 : index
    %swap3A_381 = arith.constant 128 : index
    %swap3A_382 = vector.load %arg9[%swap3A_380, %swap3A_381] : memref<512x256xf32, #tpu.memory_space<vmem>>, vector<512x128xf32>
    tpu.vector_store %arg9[%swap3A_380, %swap3A_381], %mul3A_379 {strides = array<i32>} : memref<512x256xf32, #tpu.memory_space<vmem>>, vector<512x128xf32>,
    return
  }
  func.func @transform_0(%arg0: i32) -> (i32, i32, i32) {
    %c0_i32 = arith.constant 0 : i32
    %c0_i32_0 = arith.constant 0 : i32
    %c0_i32_1 = arith.constant 0 : i32
    return %arg0, %c0_i32, %c0_i32_0 : i32, i32, i32
  }
  func.func @transform_1(%arg0: i32) -> (i32, i32, i32) {
    %c0_i32 = arith.constant 0 : i32
    %c0_i32_0 = arith.constant 0 : i32
    %c0_i32_1 = arith.constant 0 : i32
    return %arg0, %c0_i32, %c0_i32_0 : i32, i32, i32
  }
  func.func @transform_2(%arg0: i32) -> (i32, i32) {
    %c0_i32 = arith.constant 0 : i32
    %c0_i32_0 = arith.constant 0 : i32
    %c0_i32_1 = arith.constant 0 : i32
    return %c0_i32, %c0_i32_0 : i32, i32
  }
  func.func @transform_3(%arg0: i32) -> (i32, i32) {
    %c0_i32 = arith.constant 0 : i32
    %c0_i32_0 = arith.constant 0 : i32
    %c0_i32_1 = arith.constant 0 : i32
    return %c0_i32, %c0_i32_0 : i32, i32
  }
  func.func @transform_4(%arg0: i32) -> (i32, i32) {
    %c0_i32 = arith.constant 0 : i32
    %c0_i32_0 = arith.constant 0 : i32
    %c0_i32_1 = arith.constant 0 : i32
    return %c0_i32, %c0_i32_0 : i32, i32
  }
  func.func @transform_5(%arg0: i32) -> (i32, i32) {
    %c0_i32 = arith.constant 0 : i32
    %c0_i32_0 = arith.constant 0 : i32
    %c0_i32_1 = arith.constant 0 : i32
    return %c0_i32, %c0_i32_0 : i32, i32
  }
  func.func @transform_6(%arg0: i32) -> (i32, i32, i32) {
    %c0_i32 = arith.constant 0 : i32
    %c0_i32_0 = arith.constant 0 : i32
    %c0_i32_1 = arith.constant 0 : i32
    return %arg0, %c0_i32, %c0_i32_0 : i32, i32, i32
  }
  func.func @transform_7(%arg0: i32) -> (i32, i32, i32) {
    %c0_i32 = arith.constant 0 : i32
    %c0_i32_0 = arith.constant 0 : i32
    %c0_i32_1 = arith.constant 0 : i32
    return %arg0, %c0_i32, %c0_i32_0 : i32, i32, i32
  }
  func.func @transform_8(%arg0: i32) -> (i32, i32) {
    %c0_i32 = arith.constant 0 : i32
    %c0_i32_0 = arith.constant 0 : i32
    return %arg0, %c0_i32 : i32, i32
  }
}

</mosaic_0001>

<sc_bundles>
// kernel: kernel.4.cloned.1.call-start
scs
__scs_entry_jumppad:
0x0: {  	(pc) =	sbr.rel $0x88, $3  }
0x1: {  	(tag) =	ssettag $0x0;
	lr =	simm.s32 $0x1  }
0x2: {  	[smem:$0x3F9A] =	sst lr;
	_ =	strace $0xD0000000  }
0x3: {  	_ = 	snop  }
0x4: {  	_ = 	snop  }
0x5: {  	_ = 	snop  }
0x6: {  	_ = 	snop  }
0x7: {  	_ = 	snop  }
__scs_overlays_trampoline_lowered:
0x8: {  	[smem:$0x3FA9] =	sst s0  }
0x9: {  	[smem:$0x3FAA] =	sst s1  }
0xa: {  	[smem:$0x3FAB] =	sst s2  }
0xb: {  	[smem:$0x3FAC] =	sst s3  }
0xc: {  	[smem:$0x3FAD] =	sst s4  }
0xd: {  	[smem:$0x3FAE] =	sst s5  }
0xe: {  	[smem:$0x3FAF] =	sst s6  }
0xf: {  	[smem:$0x3FB0] =	sst s7  }
0x10: {  	[smem:$0x3FB1] =	sst s8  }
0x11: {  	[smem:$0x3FB2] =	sst s9;
	s0 =	simm.s32 @!p0 $0x0  }
0x12: {  	s1 =	sld [smem:$0x3F98];
	s0 =	simm.s32 @p0 $0x1  }
0x13: {  	[smem:$0x3FB3] =	sst s0;
	s0 =	simm.s32 @!p1 $0x0  }
0x14: {  	s2 =	sld [smem:$0x3F97];
	s0 =	simm.s32 @p1 $0x1  }
0x15: {  	[smem:$0x3FB4] =	sst s0;
	s0 =	simm.s32 @!p2 $0x0  }
0x16: {  	s3 =	sld [smem:$0x3FDB];
	s0 =	simm.s32 @p2 $0x1  }
0x17: {  	s4 =	simm.s32 $0x1BF5;
	[smem:$0x3FB6] =	sst s0  }
0x18: {  	s0 =	sld [smem:$0x3F99];
	_ =	swait.ge [sflag:s4], $0x0  }
0x19: {  	s7 =	sld [smem:$0x3F9A]  }
0x1a: {  	s8 =	sadd.s32 $0xFFFFE003, lr  }
0x1b: {  	s9 =	sadd.s32 $0xFFFFFEF7, lr;
	s5 =	simm.s32 $0xFFFFFFFF;
	p2 =	slt.u32 s8, $0xFFFFF086  }
0x1c: {  	p1 =	slt.u32 s9, $0xF7A;
	s5 =	simm.s32 @!p2 $0x0  }
0x1d: {  	s5 =	simm.s32 @p1 $0x1;
	p0 =	seq.s32 s7, s2  }
0x1e: {  	s7 =	smul.u32 @!p0 $0xF7A, s2;
	p2 =	seq.s32 @!p0 s5, $0x0  }
0x1f: {  	s9 =	smul.u32 $0xF7A, s1;
	s8 =	simm.s32 @!p0 $0x1BF5;
	p2 =	por !p2, p0  }
0x20: {  	[sflag:s8] =	ssyncset.s32 @!p0 $0xFFFFF086;
	s6 =	sadd.s32 @!p0 s3, s7;
	s7 =	simm.s32 @!p0 $0x108  }
0x21: {  	s3 =	sadd.s32 s3, s9;
	s6 =	sadd.s32 @!p0 $0x88, s6;
	s7 =	simm.s32 @p2 $0x1082  }
0x22: {  	[simem:s7], [sflag:s8] =	dma.local @!p0 [hbm:s6], $0xF7A  }
0x23: {  	s9 =	sor.u32 $0xD0000000, s2;
	s6 =	simm.s32 $0x108;
	_ =	swait.ge @!p0 [sflag:s8], $0x0  }
0x24: {  	s3 =	sadd.s32 $0x88, s3;
	s6 =	simm.s32 @!p1 $0x1082;
	[sflag:s4] =	ssyncset.s32 $0xFFFFF086  }
0x25: {  	[simem:s6], [sflag:s4] =	dma.local [hbm:s3], $0xF7A  }
0x26: {  	[smem:$0x3F9A] =	sst s1;
	(tag) =	ssettag s2;
	_ =	strace s9  }
0x27: {  	s1 =	sld [smem:$0x3FAA]  }
0x28: {  	s2 =	sld [smem:$0x3FAB]  }
0x29: {  	s4 =	sld [smem:$0x3FAD]  }
0x2a: {  	p0 =	seq.s32 s5, $0x0;
	s5 =	sld [smem:$0x3FAE]  }
0x2b: {  	s6 =	sld [smem:$0x3FAF]  }
0x2c: {  	s7 =	sld [smem:$0x3FB0]  }
0x2d: {  	s3 =	simm.s32 $0x108;
	s8 =	sld [smem:$0x3FB1]  }
0x2e: {  	s3 =	simm.s32 @!p0 $0x1082;
	s9 =	sld [smem:$0x3FB2]  }
0x2f: {  	lr =	sadd.s32 s0, s3;
	s0 =	sld [smem:$0x3FA9]  }
0x30: {  	s3 =	sld [smem:$0x3FAC]  }
0x31: {  	[smem:$0x3FB5] =	sst s10  }
0x32: {  	s10 =	sld [smem:$0x3FB3];
	_ =	sdelay $0x3  }
0x33: {  	p0 =	seq.s32 s10, $0x1;
	s10 =	sld [smem:$0x3FB5];
	_ =	sdelay $0x3  }
0x34: {  	[smem:$0x3FB5] =	sst s10  }
0x35: {  	s10 =	sld [smem:$0x3FB4];
	_ =	sdelay $0x3  }
0x36: {  	p1 =	seq.s32 s10, $0x1;
	s10 =	sld [smem:$0x3FB5];
	_ =	sdelay $0x3  }
0x37: {  	[smem:$0x3FB5] =	sst s10  }
0x38: {  	s10 =	sld [smem:$0x3FB6]  }
0x39: {  	_ = 	snop;
	(pc) =	sbr.ind lr, $3  }
0x3a: {  	_ = 	snop  }
0x3b: {  	_ = 	snop  }
0x3c: {  	p2 =	seq.s32 s10, $0x1;
	s10 =	sld [smem:$0x3FB5]  }
0x3d: {  	_ =	shalt  }
0x3e: {  	_ =	shalt  }
0x3f: {  	_ =	shalt  }
0x40: {  	_ =	shalt  }
0x41: {  	_ =	shalt  }
0x42: {  	_ =	shalt  }
0x43: {  	_ =	shalt  }
0x44: {  	_ =	shalt  }
0x45: {  	_ =	shalt  }
0x46: {  	_ =	shalt  }
0x47: {  	_ =	shalt  }
0x48: {  	_ =	shalt  }
0x49: {  	_ =	shalt  }
0x4a: {  	_ =	shalt  }
0x4b: {  	_ =	shalt  }
0x4c: {  	_ =	shalt  }
0x4d: {  	_ =	shalt  }
0x4e: {  	_ =	shalt  }
0x4f: {  	_ =	shalt  }
0x50: {  	_ =	shalt  }
0x51: {  	_ =	shalt  }
0x52: {  	_ =	shalt  }
0x53: {  	_ =	shalt  }
0x54: {  	_ =	shalt  }
0x55: {  	_ =	shalt  }
0x56: {  	_ =	shalt  }
0x57: {  	_ =	shalt  }
0x58: {  	_ =	shalt  }
0x59: {  	_ =	shalt  }
0x5a: {  	_ =	shalt  }
0x5b: {  	_ =	shalt  }
0x5c: {  	_ =	shalt  }
0x5d: {  	_ =	shalt  }
0x5e: {  	_ =	shalt  }
0x5f: {  	_ =	shalt  }
0x60: {  	_ =	shalt  }
0x61: {  	_ =	shalt  }
0x62: {  	_ =	shalt  }
0x63: {  	_ =	shalt  }
0x64: {  	_ =	shalt  }
0x65: {  	_ =	shalt  }
0x66: {  	_ =	shalt  }
0x67: {  	_ =	shalt  }
0x68: {  	_ =	shalt  }
0x69: {  	_ =	shalt  }
0x6a: {  	_ =	shalt  }
0x6b: {  	_ =	shalt  }
0x6c: {  	_ =	shalt  }
0x6d: {  	_ =	shalt  }
0x6e: {  	_ =	shalt  }
0x6f: {  	_ =	shalt  }
0x70: {  	_ =	shalt  }
0x71: {  	_ =	shalt  }
0x72: {  	_ =	shalt  }
0x73: {  	_ =	shalt  }
0x74: {  	_ =	shalt  }
0x75: {  	_ =	shalt  }
0x76: {  	_ =	shalt  }
0x77: {  	_ =	shalt  }
0x78: {  	_ =	shalt  }
0x79: {  	_ =	shalt  }
0x7a: {  	_ =	shalt  }
0x7b: {  	_ =	shalt  }
0x7c: {  	_ =	shalt  }
0x7d: {  	_ =	shalt  }
0x7e: {  	_ =	shalt  }
0x7f: {  	_ =	shalt  }
0x80: {  	_ =	shalt  }
0x81: {  	_ =	shalt  }
0x82: {  	_ =	shalt  }
0x83: {  	_ =	shalt  }
0x84: {  	_ =	shalt  }
0x85: {  	_ =	shalt  }
0x86: {  	_ =	shalt  }
0x87: {  	_ =	shalt  }
.Lfunc_end0:
.L_simem_size_0:
called_computation_lowered:
.L_overlay_start_0:
0x88: {  	s2 =	sld [smem:$0x3FD9]  }
0x89: {  	s3 =	sld [smem:$0x3FFE];
	_ =	sdelay $0x1  }
0x8a: {  	s1 =	srdreg.scid  }
0x8b: {  	s0 =	sand.u32 $0x1, s1  }
0x8c: {  	s14 =	sshll.u32 s0, $0xA;
	s2 =	sadd.s32 s3, s2  }
0x8d: {  	s2 =	sadd.s32 s2, s14  }
0x8e: {  	[smem:$0x3FC1] =	sst s2  }
0x8f: {  	_ = 	snop  }
0x90: {  	s2 =	sld [smem:$0x3FD0];
	_ =	sdelay $0x2  }
0x91: {  	s15 =	simm.s32 $0xA;
	s4 =	simm.s32 $0x10  }
0x92: {  	[smem:s4], [sflag:s15] =	dma.local [hbm:s2], $0x1  }
0x93: {  	_ =	swait.eq [sflag:s15], $0x1  }
0x94: {  	[sflag:s15] =	ssyncset.done $0x0  }
0x95: {  	s16 =	sld [smem:$0x10];
	[sflag:s15] =	ssyncadd.s32 $0xFFFFFFFF  }
0x96: {  	s17 =	sld [smem:$0x11];
	(tm) =	ssettm $0x1  }
0x97: {  	s18 =	sld [smem:$0x3FFB];
	_ =	sdelay $0x3  }
0x98: {  	_ =	strace s18  }
0x99: {  	s4 =	sld [smem:$0x3FFC];
	_ =	sdelay $0x3  }
0x9a: {  	_ =	strace s4  }
0x9b: {  	s4 =	sld [smem:$0x3FFD];
	_ =	sdelay $0x3  }
0x9c: {  	_ =	strace s4  }
0x9d: {  	_ =	strace $0x8FFFFFFF  }
0x9e: {  	s19 =	sld [smem:$0x3FDB];
	_ =	sdelay $0x1  }
0x9f: {  	s5 =	simm.s32 $_scs_section_size  }
0xa0: {  	s6 =	simm.s32 $_size__tile_overlayer_lowered;
	s7 =	simm.s32 $_tile_overlayer_lowered  }
0xa1: {  	s22 =	simm.s32 $0x1BFF;
	s21 =	sshll.u32 s7, $0x1;
	s4 =	sadd.s32 s5, s19  }
0xa2: {  	s8 =	simm.s32 $0x0;
	s20 =	sshll.u32 s6, $0x1;
	s6 =	sadd.s32 s21, s4  }
0xa3: {  	[timem:s8], [sflag:s22] =	dma.local [hbm:s6], s20  }
0xa4: {  	_ =	swait.ge [sflag:s22], s20  }
0xa5: {  	s5 =	ssub.s32 $0x0, s20;
	[sflag:s22] =	ssyncset.done $0x0  }
0xa6: {  	[sflag:s22] =	ssyncadd.s32 s5;
	_ =	sdelay $0x1  }
0xa7: {  	s23 =	simm.s32 $0x1B8B  }
0xa8: {  	_ =	swait.ge [sflag:s23], $0x1  }
0xa9: {  	[sflag:s23] =	ssyncset.done $0x0  }
0xaa: {  	s25 =	simm.s32 $0x1B8E;
	s24 =	sld [smem:$0x3FFE];
	[sflag:s23] =	ssyncadd.s32 $0xFFFFFFFF  }
0xab: {  	s26 =	simm.s32 $execute0_lowered;
	[smem:$0x3FD2] =	sst s25  }
0xac: {  	s6 =	sshll.u32 s26, $0x1;
	_ =	strace $0x80000046;
	[dreg:$0x1] =	wrdreg $0xFFFFFFFF  }
0xad: {  	s28 =	simm.s32 $_size_execute0_lowered;
	s4 =	sadd.s32 s4, s6;
	[dreg:$0x0] =	wrdreg $0x0  }
0xae: {  	s6 =	sshll.u32 s28, $0x1;
	[dreg:$0x2] =	wrdreg s4  }
0xaf: {  	[dreg:$0x3] =	wrdreg s6  }
0xb0: {  	[dreg:$0x4] =	wrdreg $0xC0  }
0xb1: {  	_ =	task [dreg:s8], $0x5FFFF  }
0xb2: {  	[dreg:$0x1] =	wrdreg $0xFFFFFFFF  }
0xb3: {  	[dreg:$0x0] =	wrdreg $0x60  }
0xb4: {  	[dreg:$0x2] =	wrdreg s16  }
0xb5: {  	[dreg:$0x3] =	wrdreg s24  }
0xb6: {  	[dreg:$0x4] =	wrdreg s17  }
0xb7: {  	[dreg:$0x5] =	wrdreg $0x9  }
0xb8: {  	_ =	task.clear_ibuf [dreg:s8], $0x6FFFF;
	_ =	strace $0x90000046  }
0xb9: {  	s29 =	simm.s32 $0x9;
	_ =	strace $0x80000048  }
0xba: {  	_ =	swait.ge [sflag:s29], $0x1  }
0xbb: {  	[sflag:s29] =	ssyncadd.s32 $0xFFFFFFFF  }
0xbc: {  	_ =	strace $0x90000048  }
0xbd: {  	_ =	sfence  }
0xbe: {  	s30 =	sld [smem:$0x0];
	_ =	sdelay $0x2  }
0xbf: {  	s31 =	sshll.u32 s1, $0xD;
	s1 =	sshrl.u32 s1, $0x2  }
0xc0: {  	s3 =	sand.u32 $0x4000, s31;
	s1 =	sadd.s32 s1, s30  }
0xc1: {  	s0 =	sor.u32 s3, s0;
	s1 =	sshll.u32 s1, $0x11  }
0xc2: {  	s0 =	sor.u32 s1, s0  }
0xc3: {  	s0 =	sadd.s32 $0x8F2B, s0  }
0xc4: {  	[sflag:s0] =	ssyncadd.remote.s32 $0x1  }
0xc5: {  	_ =	sfence.sel $0xFFFF  }
0xc6: {  	[dreg:$0x0] =	wrdreg $0xFFFFFFFF;
	(pc) =	sbr.abs _section_cstart, $3  }
0xc7: {  	[dreg:$0x1] =	wrdreg $0xFFFFFFFF  }
0xc8: {  	_ =	task.clear_ibuf [dreg:s8], $0x2FFFF;
	_ =	strace $0x9FFFFFFF  }
0xc9: {  	(tm) =	ssettm $0x7FFFFFFF  }
tec
execute0_lowered:
.L_overlay_start_1:
0x0: {  	(tag) =	ssettag $0x1  }
0x1: {  	s1 =	rddreg [dreg:$0x0];
	s0 =	srdreg.scid  }
0x2: {  	s4 =	rddreg [dreg:$0x1];
	s2 =	stileid.u32;
	s5 =	sand.u32 $0x1, s0  }
0x3: {  	s0 =	rddreg [dreg:$0x2];
	s3 =	sshll.u32 s2, $0xA;
	s2 =	simm.s32 $0x0  }
0x4: {  	s7 =	simm.s32 $0x8600;
	[smem:$0x7FF] =	sst s2  }
0x5: {  	s19 =	simm.s32 $0x8E00;
	_ =	strace $0x80000047;
	[dreg:$0x5] =	wrdreg s7  }
0x6: {  	s20 =	simm.s32 $0x9600;
	[dreg:$0x6] =	wrdreg s19  }
0x7: {  	s22 =	simm.s32 $0x9E00;
	[dreg:$0x7] =	wrdreg s20  }
0x8: {  	s23 =	simm.s32 $0xA600;
	[dreg:$0x8] =	wrdreg s22  }
0x9: {  	s24 =	simm.s32 $0xAE00;
	[dreg:$0x9] =	wrdreg s23  }
0xa: {  	s26 =	simm.s32 $0xB600;
	[dreg:$0xa] =	wrdreg s24  }
0xb: {  	s30 =	simm.s32 $0xBE00;
	[dreg:$0xb] =	wrdreg s26  }
0xc: {  	s8 =	simm.s32 $0xC600;
	[dreg:$0xc] =	wrdreg s30  }
0xd: {  	s10 =	simm.s32 $0xD600;
	[dreg:$0xd] =	wrdreg s8  }
0xe: {  	s12 =	simm.s32 $0xE600;
	[dreg:$0xf] =	wrdreg s10  }
0xf: {  	s13 =	simm.s32 $0xEE00;
	[dreg:$0x11] =	wrdreg s12  }
0x10: {  	s14 =	simm.s32 $0xFE00;
	[dreg:$0x12] =	wrdreg s13  }
0x11: {  	s15 =	simm.s32 $0x10600;
	[dreg:$0x14] =	wrdreg s14  }
0x12: {  	s16 =	simm.s32 $0x11600;
	[dreg:$0x15] =	wrdreg s15  }
0x13: {  	s17 =	simm.s32 $0x11E00;
	[dreg:$0x17] =	wrdreg s16  }
0x14: {  	s28 =	simm.s32 $0x2;
	s10 =	simm.s32 $0xDE00;
	[dreg:$0x18] =	wrdreg s17  }
0x15: {  	s6 =	sshll.u32 s5, $0x9;
	s12 =	simm.s32 $0xF600;
	[dreg:$0x10] =	wrdreg s10  }
0x16: {  	s5 =	ssub.s32 $0x2, s5;
	s14 =	simm.s32 $0x10E00;
	[dreg:$0x13] =	wrdreg s12  }
0x17: {  	s6 =	sor.u32 s6, s3;
	s16 =	simm.s32 $0x12600;
	[dreg:$0x16] =	wrdreg s14  }
0x18: {  	s21 =	sshrl.u32 s5, $0x1;
	s19 =	simm.s32 $0x12E00;
	[dreg:$0x19] =	wrdreg s16  }
0x19: {  	s22 =	simm.s32 $0x14600;
	s23 =	simm.s32 $0x14E00;
	[dreg:$0x1a] =	wrdreg s19  }
0x1a: {  	s24 =	simm.s32 $0x15600;
	s26 =	simm.s32 $0x16600;
	[dreg:$0x1d] =	wrdreg s22  }
0x1b: {  	s30 =	simm.s32 $0x17600;
	s3 =	sshrl.u32 s6, $0x3;
	[dreg:$0x1e] =	wrdreg s23  }
0x1c: {  	s20 =	ssub.s32 s5, s21;
	s18 =	sshll.u32 s6, $0x4;
	[dreg:$0x1f] =	wrdreg s24  }
0x1d: {  	s6 =	simm.s32 $0xCE00;
	s21 =	simm.s32 $0x13600;
	[smem:$0x7FA] =	sst s26  }
0x1e: {  	s19 =	simm.s32 $0x13E00;
	[smem:$0x7FC] =	sst s30;
	s26 =	simm.s32 $0x1  }
0x1f: {  	s1 =	sadd.s32 s1, s3;
	s3 =	sadd.s32 $0x2000, s4;
	[dreg:$0xe] =	wrdreg s6  }
0x20: {  	s25 =	sadd.s32 s0, s18;
	s31 =	sor.u32 $0x400, s18;
	[dreg:$0x1b] =	wrdreg s21  }
0x21: {  	s13 =	sor.u32 $0x1000, s18;
	s15 =	sor.u32 $0x1400, s18;
	[dreg:$0x1c] =	wrdreg s19  }
0x22: {  	s17 =	sor.u32 $0x1800, s18;
	s21 =	sor.u32 $0x1C00, s18;
	[dreg:$0x4] =	wrdreg s1  }
0x23: {  	s1 =	sadd.s32 $0x82000, s4;
	[smem:$0x7F4] =	sst s25;
	s5 =	sadd.s32 s0, s31  }
0x24: {  	s12 =	sadd.s32 s0, s13;
	s14 =	sadd.s32 s0, s15;
	s16 =	sadd.s32 s0, s17  }
0x25: {  	s25 =	simm.s32 $0x15E00;
	s29 =	sadd.s32 s1, s18;
	[smem:$0x7F6] =	sst s5  }
0x26: {  	s9 =	sadd.s32 s1, s31;
	s13 =	sadd.s32 s1, s13;
	[smem:$0x7F9] =	sst s25  }
0x27: {  	s15 =	sadd.s32 s1, s15;
	s17 =	sadd.s32 s1, s17;
	[smem:$0x7F5] =	sst s29  }
0x28: {  	s19 =	sadd.s32 s1, s21;
	s31 =	simm.s32 $0x17E00;
	[smem:$0x7F7] =	sst s9  }
0x29: {  	s9 =	sor.u32 $0x800, s18;
	s29 =	simm.s32 $0x16E00;
	[smem:$0x7FD] =	sst s31  }
0x2a: {  	v2 =	vlaneseq.u32;
	s11 =	sadd.s32 s0, s9;
	s9 =	sadd.s32 s1, s9;
	[smem:$0x7FB] =	sst s29  }
0x2b: {  	vm0 =	vmmov $0xffff;
	v1 =	vshrl.u32 v2, $0x3;
	[smem:$0x7F8] =	sst s11;
	s11 =	sor.u32 $0xC00, s18;
	s18 =	sadd.s32 s0, s21  }
0x2c: {  	v0 =	vand.u32 $0x7, v2;
	v2 =	vor.u32 $0x8, v2;
	v1 =	vmul.u32 $0x8, v1;
	s10 =	sadd.s32 s0, s11;
	s11 =	sadd.s32 s1, s11;
	s1 =	smax.u32 s20, $0x1  }
.LBB2_1:
0x2d: {  	[smem:$0x7F3] =	sst s1  }
0x2e: {  	s29 =	rddreg [dreg:$0x4];
	s8 =	simm.s32 $0x3  }
0x2f: {  	[tilespmem:s2], [sflag:$0x3] =	stream.linear.gather [hbm4b:s29+s2], $0x200, $0x38;
	[tilespmem:$0x18200] =	vst v63  }
0x30: {  	_ =	swait.ge [sflag:s8], $0x200  }
0x31: {  	[sflag:s8] =	ssyncset.done $0x0  }
0x32: {  	[sflag:s8] =	ssyncadd.s32 $0xFFFFFE00  }
0x33: {  	v3 =	vld [tilespmem:$0x0];
	_ =	sdelay $0x4  }
0x34: {  	v4 =	vshll.u32 v3, $0x1  }
0x35: {  	v3 =	vand.u32 $0x7, v3;
	v4 =	vand.u32 $0xFFFFFFF0, v4  }
0x36: {  	v3 =	vor.u32 v3, v4  }
0x37: {  	v4 =	vperm.xlane v3, v0;
	_ =	sdelay $0x1  }
0x38: {  	v3 =	vperm.xlane v3, v2;
	v4 =	vadd.s32 v1, v4;
	_ =	sdelay $0x1  }
0x39: {  	v3 =	vadd.s32 v1, v3;
	_ =	sdelay $0x1  }
0x3a: {  	s0 =	simm.s32 $0x200  }
0x3b: {  	[tilespmem:s0], [sflag:$0x1] =	stream.indirect_vreg.gather [hbm4b:s3+s2], $0x80, v4, vm0, $0xb8;
	[tilespmem:$0x18200] =	vst v63  }
0x3c: {  	s20 =	simm.s32 $0xA00  }
0x3d: {  	[tilespmem:s20], [sflag:$0x1] =	stream.indirect_vreg.gather [hbm4b:s3+s2], $0x80, v3, vm0, $0xb8;
	[tilespmem:$0x18200] =	vst v63  }
0x3e: {  	v3 =	vld [tilespmem:$0x10];
	_ =	sdelay $0x4  }
0x3f: {  	v33 =	vshll.u32 v3, $0x1  }
0x40: {  	v3 =	vand.u32 $0x7, v3;
	v4 =	vand.u32 $0xFFFFFFF0, v33  }
0x41: {  	v3 =	vor.u32 v3, v4  }
0x42: {  	v4 =	vperm.xlane v3, v0;
	_ =	sdelay $0x1  }
0x43: {  	v3 =	vperm.xlane v3, v2;
	v4 =	vadd.s32 v1, v4;
	_ =	sdelay $0x1  }
0x44: {  	v3 =	vadd.s32 v1, v3;
	_ =	sdelay $0x1  }
0x45: {  	s21 =	simm.s32 $0x1200  }
0x46: {  	[tilespmem:s21], [sflag:$0x1] =	stream.indirect_vreg.gather [hbm4b:s3+s2], $0x80, v4, vm0, $0xb8;
	[tilespmem:$0x18200] =	vst v63  }
0x47: {  	s22 =	simm.s32 $0x1A00  }
0x48: {  	[tilespmem:s22], [sflag:$0x1] =	stream.indirect_vreg.gather [hbm4b:s3+s2], $0x80, v3, vm0, $0xb8;
	[tilespmem:$0x18200] =	vst v63  }
0x49: {  	v3 =	vld [tilespmem:$0x20];
	_ =	sdelay $0x4  }
0x4a: {  	v34 =	vshll.u32 v3, $0x1  }
0x4b: {  	v3 =	vand.u32 $0x7, v3;
	v4 =	vand.u32 $0xFFFFFFF0, v34  }
0x4c: {  	v3 =	vor.u32 v3, v4  }
0x4d: {  	v4 =	vperm.xlane v3, v0;
	_ =	sdelay $0x1  }
0x4e: {  	v3 =	vperm.xlane v3, v2;
	v4 =	vadd.s32 v1, v4;
	_ =	sdelay $0x1  }
0x4f: {  	v3 =	vadd.s32 v1, v3;
	_ =	sdelay $0x1  }
0x50: {  	s23 =	simm.s32 $0x2200  }
0x51: {  	[tilespmem:s23], [sflag:$0x1] =	stream.indirect_vreg.gather [hbm4b:s3+s2], $0x80, v4, vm0, $0xb8;
	[tilespmem:$0x18200] =	vst v63  }
0x52: {  	s24 =	simm.s32 $0x2A00  }
0x53: {  	[tilespmem:s24], [sflag:$0x1] =	stream.indirect_vreg.gather [hbm4b:s3+s2], $0x80, v3, vm0, $0xb8;
	[tilespmem:$0x18200] =	vst v63  }
0x54: {  	v3 =	vld [tilespmem:$0x30];
	_ =	sdelay $0x4  }
0x55: {  	v35 =	vshll.u32 v3, $0x1  }
0x56: {  	v3 =	vand.u32 $0x7, v3;
	v4 =	vand.u32 $0xFFFFFFF0, v35  }
0x57: {  	v3 =	vor.u32 v3, v4  }
0x58: {  	v4 =	vperm.xlane v3, v0;
	_ =	sdelay $0x1  }
0x59: {  	v3 =	vperm.xlane v3, v2;
	v4 =	vadd.s32 v1, v4;
	_ =	sdelay $0x1  }
0x5a: {  	v3 =	vadd.s32 v1, v3;
	_ =	sdelay $0x1  }
0x5b: {  	s25 =	simm.s32 $0x3200  }
0x5c: {  	[tilespmem:s25], [sflag:$0x1] =	stream.indirect_vreg.gather [hbm4b:s3+s2], $0x80, v4, vm0, $0xb8;
	[tilespmem:$0x18200] =	vst v63  }
0x5d: {  	s29 =	simm.s32 $0x3A00  }
0x5e: {  	[tilespmem:s29], [sflag:$0x1] =	stream.indirect_vreg.gather [hbm4b:s3+s2], $0x80, v3, vm0, $0xb8;
	[tilespmem:$0x18200] =	vst v63  }
0x5f: {  	v3 =	vld [tilespmem:$0x40];
	_ =	sdelay $0x4  }
0x60: {  	v36 =	vshll.u32 v3, $0x1  }
0x61: {  	v3 =	vand.u32 $0x7, v3;
	v4 =	vand.u32 $0xFFFFFFF0, v36  }
0x62: {  	v3 =	vor.u32 v3, v4  }
0x63: {  	v4 =	vperm.xlane v3, v0;
	_ =	sdelay $0x1  }
0x64: {  	v3 =	vperm.xlane v3, v2;
	v4 =	vadd.s32 v1, v4;
	_ =	sdelay $0x1  }
0x65: {  	v3 =	vadd.s32 v1, v3;
	_ =	sdelay $0x1  }
0x66: {  	s30 =	simm.s32 $0x4200  }
0x67: {  	[tilespmem:s30], [sflag:$0x1] =	stream.indirect_vreg.gather [hbm4b:s3+s2], $0x80, v4, vm0, $0xb8;
	[tilespmem:$0x18200] =	vst v63  }
0x68: {  	s31 =	simm.s32 $0x4A00  }
0x69: {  	[tilespmem:s31], [sflag:$0x1] =	stream.indirect_vreg.gather [hbm4b:s3+s2], $0x80, v3, vm0, $0xb8;
	[tilespmem:$0x18200] =	vst v63  }
0x6a: {  	v3 =	vld [tilespmem:$0x50];
	_ =	sdelay $0x4  }
0x6b: {  	v37 =	vshll.u32 v3, $0x1  }
0x6c: {  	v3 =	vand.u32 $0x7, v3;
	v4 =	vand.u32 $0xFFFFFFF0, v37  }
0x6d: {  	v3 =	vor.u32 v3, v4  }
0x6e: {  	v4 =	vperm.xlane v3, v0;
	_ =	sdelay $0x1  }
0x6f: {  	v3 =	vperm.xlane v3, v2;
	v4 =	vadd.s32 v1, v4;
	_ =	sdelay $0x1  }
0x70: {  	v3 =	vadd.s32 v1, v3;
	_ =	sdelay $0x1  }
0x71: {  	s1 =	simm.s32 $0x5200  }
0x72: {  	[tilespmem:s1], [sflag:$0x1] =	stream.indirect_vreg.gather [hbm4b:s3+s2], $0x80, v4, vm0, $0xb8;
	[tilespmem:$0x18200] =	vst v63  }
0x73: {  	s4 =	simm.s32 $0x5A00  }
0x74: {  	[tilespmem:s4], [sflag:$0x1] =	stream.indirect_vreg.gather [hbm4b:s3+s2], $0x80, v3, vm0, $0xb8;
	[tilespmem:$0x18200] =	vst v63  }
0x75: {  	v3 =	vld [tilespmem:$0x60];
	_ =	sdelay $0x4  }
0x76: {  	v38 =	vshll.u32 v3, $0x1  }
0x77: {  	v3 =	vand.u32 $0x7, v3;
	v4 =	vand.u32 $0xFFFFFFF0, v38  }
0x78: {  	v3 =	vor.u32 v3, v4  }
0x79: {  	v4 =	vperm.xlane v3, v0;
	_ =	sdelay $0x1  }
0x7a: {  	v3 =	vperm.xlane v3, v2;
	v4 =	vadd.s32 v1, v4;
	_ =	sdelay $0x1  }
0x7b: {  	v3 =	vadd.s32 v1, v3;
	_ =	sdelay $0x1  }
0x7c: {  	s5 =	simm.s32 $0x6200  }
0x7d: {  	[tilespmem:s5], [sflag:$0x1] =	stream.indirect_vreg.gather [hbm4b:s3+s2], $0x80, v4, vm0, $0xb8;
	[tilespmem:$0x18200] =	vst v63  }
0x7e: {  	s6 =	simm.s32 $0x6A00  }
0x7f: {  	[tilespmem:s6], [sflag:$0x1] =	stream.indirect_vreg.gather [hbm4b:s3+s2], $0x80, v3, vm0, $0xb8;
	[tilespmem:$0x18200] =	vst v63  }
0x80: {  	v3 =	vld [tilespmem:$0x70];
	_ =	sdelay $0x4  }
0x81: {  	v39 =	vshll.u32 v3, $0x1  }
0x82: {  	v3 =	vand.u32 $0x7, v3;
	v4 =	vand.u32 $0xFFFFFFF0, v39  }
0x83: {  	v3 =	vor.u32 v3, v4  }
0x84: {  	v4 =	vperm.xlane v3, v0;
	_ =	sdelay $0x1  }
0x85: {  	v3 =	vperm.xlane v3, v2;
	v4 =	vadd.s32 v1, v4;
	_ =	sdelay $0x1  }
0x86: {  	v3 =	vadd.s32 v1, v3;
	_ =	sdelay $0x1  }
0x87: {  	s7 =	simm.s32 $0x7200  }
0x88: {  	[tilespmem:s7], [sflag:$0x1] =	stream.indirect_vreg.gather [hbm4b:s3+s2], $0x80, v4, vm0, $0xb8;
	[tilespmem:$0x18200] =	vst v63  }
0x89: {  	s8 =	simm.s32 $0x7A00  }
0x8a: {  	[tilespmem:s8], [sflag:$0x1] =	stream.indirect_vreg.gather [hbm4b:s3+s2], $0x80, v3, vm0, $0xb8;
	[tilespmem:$0x18200] =	vst v63  }
0x8b: {  	v3 =	vld [tilespmem:$0x80];
	_ =	sdelay $0x4  }
0x8c: {  	v40 =	vshll.u32 v3, $0x1  }
0x8d: {  	v3 =	vand.u32 $0x7, v3;
	v4 =	vand.u32 $0xFFFFFFF0, v40  }
0x8e: {  	v3 =	vor.u32 v3, v4  }
0x8f: {  	v4 =	vperm.xlane v3, v0;
	_ =	sdelay $0x1  }
0x90: {  	v3 =	vperm.xlane v3, v2;
	v4 =	vadd.s32 v1, v4;
	_ =	sdelay $0x1  }
0x91: {  	v3 =	vadd.s32 v1, v3;
	_ =	sdelay $0x1  }
0x92: {  	s20 =	simm.s32 $0x8200  }
0x93: {  	[tilespmem:s20], [sflag:$0x1] =	stream.indirect_vreg.gather [hbm4b:s3+s2], $0x80, v4, vm0, $0xb8;
	[tilespmem:$0x18200] =	vst v63  }
0x94: {  	s21 =	simm.s32 $0x8A00  }
0x95: {  	[tilespmem:s21], [sflag:$0x1] =	stream.indirect_vreg.gather [hbm4b:s3+s2], $0x80, v3, vm0, $0xb8;
	[tilespmem:$0x18200] =	vst v63  }
0x96: {  	v3 =	vld [tilespmem:$0x90];
	_ =	sdelay $0x4  }
0x97: {  	v41 =	vshll.u32 v3, $0x1  }
0x98: {  	v3 =	vand.u32 $0x7, v3;
	v4 =	vand.u32 $0xFFFFFFF0, v41  }
0x99: {  	v3 =	vor.u32 v3, v4  }
0x9a: {  	v4 =	vperm.xlane v3, v0;
	_ =	sdelay $0x1  }
0x9b: {  	v3 =	vperm.xlane v3, v2;
	v4 =	vadd.s32 v1, v4;
	_ =	sdelay $0x1  }
0x9c: {  	v3 =	vadd.s32 v1, v3;
	_ =	sdelay $0x1  }
0x9d: {  	s22 =	simm.s32 $0x9200  }
0x9e: {  	[tilespmem:s22], [sflag:$0x1] =	stream.indirect_vreg.gather [hbm4b:s3+s2], $0x80, v4, vm0, $0xb8;
	[tilespmem:$0x18200] =	vst v63  }
0x9f: {  	s23 =	simm.s32 $0x9A00  }
0xa0: {  	[tilespmem:s23], [sflag:$0x1] =	stream.indirect_vreg.gather [hbm4b:s3+s2], $0x80, v3, vm0, $0xb8;
	[tilespmem:$0x18200] =	vst v63  }
0xa1: {  	v3 =	vld [tilespmem:$0xA0];
	_ =	sdelay $0x4  }
0xa2: {  	v42 =	vshll.u32 v3, $0x1  }
0xa3: {  	v3 =	vand.u32 $0x7, v3;
	v4 =	vand.u32 $0xFFFFFFF0, v42  }
0xa4: {  	v3 =	vor.u32 v3, v4  }
0xa5: {  	v4 =	vperm.xlane v3, v0;
	_ =	sdelay $0x1  }
0xa6: {  	v3 =	vperm.xlane v3, v2;
	v4 =	vadd.s32 v1, v4;
	_ =	sdelay $0x1  }
0xa7: {  	v3 =	vadd.s32 v1, v3;
	_ =	sdelay $0x1  }
0xa8: {  	s24 =	simm.s32 $0xA200  }
0xa9: {  	[tilespmem:s24], [sflag:$0x1] =	stream.indirect_vreg.gather [hbm4b:s3+s2], $0x80, v4, vm0, $0xb8;
	[tilespmem:$0x18200] =	vst v63  }
0xaa: {  	s25 =	simm.s32 $0xAA00  }
0xab: {  	[tilespmem:s25], [sflag:$0x1] =	stream.indirect_vreg.gather [hbm4b:s3+s2], $0x80, v3, vm0, $0xb8;
	[tilespmem:$0x18200] =	vst v63  }
0xac: {  	v3 =	vld [tilespmem:$0xB0];
	_ =	sdelay $0x4  }
0xad: {  	v43 =	vshll.u32 v3, $0x1  }
0xae: {  	v3 =	vand.u32 $0x7, v3;
	v4 =	vand.u32 $0xFFFFFFF0, v43  }
0xaf: {  	v3 =	vor.u32 v3, v4  }
0xb0: {  	v4 =	vperm.xlane v3, v0;
	_ =	sdelay $0x1  }
0xb1: {  	v3 =	vperm.xlane v3, v2;
	v4 =	vadd.s32 v1, v4;
	_ =	sdelay $0x1  }
0xb2: {  	v3 =	vadd.s32 v1, v3;
	_ =	sdelay $0x1  }
0xb3: {  	s30 =	simm.s32 $0xB200  }
0xb4: {  	[tilespmem:s30], [sflag:$0x1] =	stream.indirect_vreg.gather [hbm4b:s3+s2], $0x80, v4, vm0, $0xb8;
	[tilespmem:$0x18200] =	vst v63  }
0xb5: {  	s29 =	simm.s32 $0xBA00  }
0xb6: {  	[tilespmem:s29], [sflag:$0x1] =	stream.indirect_vreg.gather [hbm4b:s3+s2], $0x80, v3, vm0, $0xb8;
	[tilespmem:$0x18200] =	vst v63  }
0xb7: {  	v3 =	vld [tilespmem:$0xC0];
	_ =	sdelay $0x4  }
0xb8: {  	v44 =	vshll.u32 v3, $0x1  }
0xb9: {  	v3 =	vand.u32 $0x7, v3;
	v4 =	vand.u32 $0xFFFFFFF0, v44  }
0xba: {  	v3 =	vor.u32 v3, v4  }
0xbb: {  	v4 =	vperm.xlane v3, v0;
	_ =	sdelay $0x1  }
0xbc: {  	v3 =	vperm.xlane v3, v2;
	v4 =	vadd.s32 v1, v4;
	_ =	sdelay $0x1  }
0xbd: {  	v3 =	vadd.s32 v1, v3;
	_ =	sdelay $0x1  }
0xbe: {  	s31 =	simm.s32 $0xC200  }
0xbf: {  	[tilespmem:s31], [sflag:$0x1] =	stream.indirect_vreg.gather [hbm4b:s3+s2], $0x80, v4, vm0, $0xb8;
	[tilespmem:$0x18200] =	vst v63  }
0xc0: {  	s1 =	simm.s32 $0xCA00  }
0xc1: {  	[tilespmem:s1], [sflag:$0x1] =	stream.indirect_vreg.gather [hbm4b:s3+s2], $0x80, v3, vm0, $0xb8;
	[tilespmem:$0x18200] =	vst v63  }
0xc2: {  	v3 =	vld [tilespmem:$0xD0];
	_ =	sdelay $0x4  }
0xc3: {  	v45 =	vshll.u32 v3, $0x1  }
0xc4: {  	v3 =	vand.u32 $0x7, v3;
	v4 =	vand.u32 $0xFFFFFFF0, v45  }
0xc5: {  	v3 =	vor.u32 v3, v4  }
0xc6: {  	v4 =	vperm.xlane v3, v0;
	_ =	sdelay $0x1  }
0xc7: {  	v3 =	vperm.xlane v3, v2;
	v4 =	vadd.s32 v1, v4;
	_ =	sdelay $0x1  }
0xc8: {  	v3 =	vadd.s32 v1, v3;
	_ =	sdelay $0x1  }
0xc9: {  	s4 =	simm.s32 $0xD200  }
0xca: {  	[tilespmem:s4], [sflag:$0x1] =	stream.indirect_vreg.gather [hbm4b:s3+s2], $0x80, v4, vm0, $0xb8;
	[tilespmem:$0x18200] =	vst v63  }
0xcb: {  	s5 =	simm.s32 $0xDA00  }
0xcc: {  	[tilespmem:s5], [sflag:$0x1] =	stream.indirect_vreg.gather [hbm4b:s3+s2], $0x80, v3, vm0, $0xb8;
	[tilespmem:$0x18200] =	vst v63  }
0xcd: {  	v3 =	vld [tilespmem:$0xE0];
	_ =	sdelay $0x4  }
0xce: {  	v46 =	vshll.u32 v3, $0x1  }
0xcf: {  	v3 =	vand.u32 $0x7, v3;
	v4 =	vand.u32 $0xFFFFFFF0, v46  }
0xd0: {  	v3 =	vor.u32 v3, v4  }
0xd1: {  	v4 =	vperm.xlane v3, v0;
	_ =	sdelay $0x1  }
0xd2: {  	v3 =	vperm.xlane v3, v2;
	v4 =	vadd.s32 v1, v4;
	_ =	sdelay $0x1  }
0xd3: {  	v3 =	vadd.s32 v1, v3;
	_ =	sdelay $0x1  }
0xd4: {  	s6 =	simm.s32 $0xE200  }
0xd5: {  	[tilespmem:s6], [sflag:$0x1] =	stream.indirect_vreg.gather [hbm4b:s3+s2], $0x80, v4, vm0, $0xb8;
	[tilespmem:$0x18200] =	vst v63  }
0xd6: {  	s7 =	simm.s32 $0xEA00  }
0xd7: {  	[tilespmem:s7], [sflag:$0x1] =	stream.indirect_vreg.gather [hbm4b:s3+s2], $0x80, v3, vm0, $0xb8;
	[tilespmem:$0x18200] =	vst v63  }
0xd8: {  	v3 =	vld [tilespmem:$0xF0];
	_ =	sdelay $0x4  }
0xd9: {  	v47 =	vshll.u32 v3, $0x1  }
0xda: {  	v3 =	vand.u32 $0x7, v3;
	v4 =	vand.u32 $0xFFFFFFF0, v47  }
0xdb: {  	v3 =	vor.u32 v3, v4  }
0xdc: {  	v4 =	vperm.xlane v3, v0;
	_ =	sdelay $0x1  }
0xdd: {  	v3 =	vperm.xlane v3, v2;
	v4 =	vadd.s32 v1, v4;
	_ =	sdelay $0x1  }
0xde: {  	v3 =	vadd.s32 v1, v3;
	_ =	sdelay $0x1  }
0xdf: {  	s8 =	simm.s32 $0xF200  }
0xe0: {  	[tilespmem:s8], [sflag:$0x1] =	stream.indirect_vreg.gather [hbm4b:s3+s2], $0x80, v4, vm0, $0xb8;
	[tilespmem:$0x18200] =	vst v63  }
0xe1: {  	s20 =	simm.s32 $0xFA00  }
0xe2: {  	[tilespmem:s20], [sflag:$0x1] =	stream.indirect_vreg.gather [hbm4b:s3+s2], $0x80, v3, vm0, $0xb8;
	[tilespmem:$0x18200] =	vst v63  }
0xe3: {  	v3 =	vld [tilespmem:$0x100];
	_ =	sdelay $0x4  }
0xe4: {  	v48 =	vshll.u32 v3, $0x1  }
0xe5: {  	v3 =	vand.u32 $0x7, v3;
	v4 =	vand.u32 $0xFFFFFFF0, v48  }
0xe6: {  	v3 =	vor.u32 v3, v4  }
0xe7: {  	v4 =	vperm.xlane v3, v0;
	_ =	sdelay $0x1  }
0xe8: {  	v3 =	vperm.xlane v3, v2;
	v4 =	vadd.s32 v1, v4;
	_ =	sdelay $0x1  }
0xe9: {  	v3 =	vadd.s32 v1, v3;
	_ =	sdelay $0x1  }
0xea: {  	s21 =	simm.s32 $0x10200  }
0xeb: {  	[tilespmem:s21], [sflag:$0x1] =	stream.indirect_vreg.gather [hbm4b:s3+s2], $0x80, v4, vm0, $0xb8;
	[tilespmem:$0x18200] =	vst v63  }
0xec: {  	s22 =	simm.s32 $0x10A00  }
0xed: {  	[tilespmem:s22], [sflag:$0x1] =	stream.indirect_vreg.gather [hbm4b:s3+s2], $0x80, v3, vm0, $0xb8;
	[tilespmem:$0x18200] =	vst v63  }
0xee: {  	v3 =	vld [tilespmem:$0x110];
	_ =	sdelay $0x4  }
0xef: {  	v49 =	vshll.u32 v3, $0x1  }
0xf0: {  	v3 =	vand.u32 $0x7, v3;
	v4 =	vand.u32 $0xFFFFFFF0, v49  }
0xf1: {  	v3 =	vor.u32 v3, v4  }
0xf2: {  	v4 =	vperm.xlane v3, v0;
	_ =	sdelay $0x1  }
0xf3: {  	v3 =	vperm.xlane v3, v2;
	v4 =	vadd.s32 v1, v4;
	_ =	sdelay $0x1  }
0xf4: {  	v3 =	vadd.s32 v1, v3;
	_ =	sdelay $0x1  }
0xf5: {  	s23 =	simm.s32 $0x11200  }
0xf6: {  	[tilespmem:s23], [sflag:$0x1] =	stream.indirect_vreg.gather [hbm4b:s3+s2], $0x80, v4, vm0, $0xb8;
	[tilespmem:$0x18200] =	vst v63  }
0xf7: {  	s24 =	simm.s32 $0x11A00  }
0xf8: {  	[tilespmem:s24], [sflag:$0x1] =	stream.indirect_vreg.gather [hbm4b:s3+s2], $0x80, v3, vm0, $0xb8;
	[tilespmem:$0x18200] =	vst v63  }
0xf9: {  	v3 =	vld [tilespmem:$0x120];
	_ =	sdelay $0x4  }
0xfa: {  	v50 =	vshll.u32 v3, $0x1  }
0xfb: {  	v3 =	vand.u32 $0x7, v3;
	v4 =	vand.u32 $0xFFFFFFF0, v50  }
0xfc: {  	v3 =	vor.u32 v3, v4  }
0xfd: {  	v4 =	vperm.xlane v3, v0;
	_ =	sdelay $0x1  }
0xfe: {  	v3 =	vperm.xlane v3, v2;
	v4 =	vadd.s32 v1, v4;
	_ =	sdelay $0x1  }
0xff: {  	v3 =	vadd.s32 v1, v3;
	_ =	sdelay $0x1  }
0x100: {  	s25 =	simm.s32 $0x12200  }
0x101: {  	[tilespmem:s25], [sflag:$0x1] =	stream.indirect_vreg.gather [hbm4b:s3+s2], $0x80, v4, vm0, $0xb8;
	[tilespmem:$0x18200] =	vst v63  }
0x102: {  	s29 =	simm.s32 $0x12A00  }
0x103: {  	[tilespmem:s29], [sflag:$0x1] =	stream.indirect_vreg.gather [hbm4b:s3+s2], $0x80, v3, vm0, $0xb8;
	[tilespmem:$0x18200] =	vst v63  }
0x104: {  	v3 =	vld [tilespmem:$0x130];
	_ =	sdelay $0x4  }
0x105: {  	v51 =	vshll.u32 v3, $0x1  }
0x106: {  	v3 =	vand.u32 $0x7, v3;
	v4 =	vand.u32 $0xFFFFFFF0, v51  }
0x107: {  	v3 =	vor.u32 v3, v4  }
0x108: {  	v4 =	vperm.xlane v3, v0;
	_ =	sdelay $0x1  }
0x109: {  	v3 =	vperm.xlane v3, v2;
	v4 =	vadd.s32 v1, v4;
	_ =	sdelay $0x1  }
0x10a: {  	v3 =	vadd.s32 v1, v3;
	_ =	sdelay $0x1  }
0x10b: {  	s31 =	simm.s32 $0x13200  }
0x10c: {  	[tilespmem:s31], [sflag:$0x1] =	stream.indirect_vreg.gather [hbm4b:s3+s2], $0x80, v4, vm0, $0xb8;
	[tilespmem:$0x18200] =	vst v63  }
0x10d: {  	s1 =	simm.s32 $0x13A00  }
0x10e: {  	[tilespmem:s1], [sflag:$0x1] =	stream.indirect_vreg.gather [hbm4b:s3+s2], $0x80, v3, vm0, $0xb8;
	[tilespmem:$0x18200] =	vst v63  }
0x10f: {  	v3 =	vld [tilespmem:$0x140];
	_ =	sdelay $0x4  }
0x110: {  	v52 =	vshll.u32 v3, $0x1  }
0x111: {  	v3 =	vand.u32 $0x7, v3;
	v4 =	vand.u32 $0xFFFFFFF0, v52  }
0x112: {  	v3 =	vor.u32 v3, v4  }
0x113: {  	v4 =	vperm.xlane v3, v0;
	_ =	sdelay $0x1  }
0x114: {  	v3 =	vperm.xlane v3, v2;
	v4 =	vadd.s32 v1, v4;
	_ =	sdelay $0x1  }
0x115: {  	v3 =	vadd.s32 v1, v3;
	_ =	sdelay $0x1  }
0x116: {  	s4 =	simm.s32 $0x14200  }
0x117: {  	[tilespmem:s4], [sflag:$0x1] =	stream.indirect_vreg.gather [hbm4b:s3+s2], $0x80, v4, vm0, $0xb8;
	[tilespmem:$0x18200] =	vst v63  }
0x118: {  	s5 =	simm.s32 $0x14A00  }
0x119: {  	[tilespmem:s5], [sflag:$0x1] =	stream.indirect_vreg.gather [hbm4b:s3+s2], $0x80, v3, vm0, $0xb8;
	[tilespmem:$0x18200] =	vst v63  }
0x11a: {  	v3 =	vld [tilespmem:$0x150];
	_ =	sdelay $0x4  }
0x11b: {  	v53 =	vshll.u32 v3, $0x1  }
0x11c: {  	v3 =	vand.u32 $0x7, v3;
	v4 =	vand.u32 $0xFFFFFFF0, v53  }
0x11d: {  	v3 =	vor.u32 v3, v4  }
0x11e: {  	v4 =	vperm.xlane v3, v0;
	_ =	sdelay $0x1  }
0x11f: {  	v3 =	vperm.xlane v3, v2;
	v4 =	vadd.s32 v1, v4;
	_ =	sdelay $0x1  }
0x120: {  	v3 =	vadd.s32 v1, v3;
	_ =	sdelay $0x1  }
0x121: {  	s6 =	simm.s32 $0x15200  }
0x122: {  	[tilespmem:s6], [sflag:$0x1] =	stream.indirect_vreg.gather [hbm4b:s3+s2], $0x80, v4, vm0, $0xb8;
	[tilespmem:$0x18200] =	vst v63  }
0x123: {  	s7 =	simm.s32 $0x15A00  }
0x124: {  	[tilespmem:s7], [sflag:$0x1] =	stream.indirect_vreg.gather [hbm4b:s3+s2], $0x80, v3, vm0, $0xb8;
	[tilespmem:$0x18200] =	vst v63  }
0x125: {  	v3 =	vld [tilespmem:$0x160];
	_ =	sdelay $0x4  }
0x126: {  	v54 =	vshll.u32 v3, $0x1  }
0x127: {  	v3 =	vand.u32 $0x7, v3;
	v4 =	vand.u32 $0xFFFFFFF0, v54  }
0x128: {  	v3 =	vor.u32 v3, v4  }
0x129: {  	v4 =	vperm.xlane v3, v0;
	_ =	sdelay $0x1  }
0x12a: {  	v3 =	vperm.xlane v3, v2;
	v4 =	vadd.s32 v1, v4;
	_ =	sdelay $0x1  }
0x12b: {  	v3 =	vadd.s32 v1, v3;
	_ =	sdelay $0x1  }
0x12c: {  	s8 =	simm.s32 $0x16200  }
0x12d: {  	[tilespmem:s8], [sflag:$0x1] =	stream.indirect_vreg.gather [hbm4b:s3+s2], $0x80, v4, vm0, $0xb8;
	[tilespmem:$0x18200] =	vst v63  }
0x12e: {  	s20 =	simm.s32 $0x16A00  }
0x12f: {  	[tilespmem:s20], [sflag:$0x1] =	stream.indirect_vreg.gather [hbm4b:s3+s2], $0x80, v3, vm0, $0xb8;
	[tilespmem:$0x18200] =	vst v63  }
0x130: {  	v3 =	vld [tilespmem:$0x170];
	_ =	sdelay $0x4  }
0x131: {  	v55 =	vshll.u32 v3, $0x1  }
0x132: {  	v3 =	vand.u32 $0x7, v3;
	v4 =	vand.u32 $0xFFFFFFF0, v55  }
0x133: {  	v3 =	vor.u32 v3, v4  }
0x134: {  	v4 =	vperm.xlane v3, v0;
	_ =	sdelay $0x1  }
0x135: {  	v3 =	vperm.xlane v3, v2;
	v4 =	vadd.s32 v1, v4;
	_ =	sdelay $0x1  }
0x136: {  	v3 =	vadd.s32 v1, v3;
	_ =	sdelay $0x1  }
0x137: {  	s21 =	simm.s32 $0x17200  }
0x138: {  	[tilespmem:s21], [sflag:$0x1] =	stream.indirect_vreg.gather [hbm4b:s3+s2], $0x80, v4, vm0, $0xb8;
	[tilespmem:$0x18200] =	vst v63  }
0x139: {  	s22 =	simm.s32 $0x17A00  }
0x13a: {  	[tilespmem:s22], [sflag:$0x1] =	stream.indirect_vreg.gather [hbm4b:s3+s2], $0x80, v3, vm0, $0xb8;
	[tilespmem:$0x18200] =	vst v63  }
0x13b: {  	_ =	swait.ge [sflag:s26], $0x4000  }
0x13c: {  	s4 =	sld [smem:$0x7F4]  }
0x13d: {  	[sflag:s26] =	ssyncset.done $0x0  }
0x13e: {  	s1 =	simm.s32 $0x200;
	[sflag:s26] =	ssyncadd.s32 $0xFFFFC000  }
0x13f: {  	[hbm4b:s4+s2] =	stream.linear.scatter [tilespmem:s1], [sflag:$0x2], $0x400, $0x38;
	[tilespmem:$0x18200] =	vst v63  }
0x140: {  	s0 =	simm.s32 $0xA00;
	s23 =	sadd.s32 $0x80, s4  }
0x141: {  	[hbm4b:s23+s2] =	stream.linear.scatter [tilespmem:s0], [sflag:$0x2], $0x400, $0x38;
	[tilespmem:$0x18200] =	vst v63  }
0x142: {  	s22 =	simm.s32 $0x1200;
	s24 =	sadd.s32 $0x100, s4  }
0x143: {  	[hbm4b:s24+s2] =	stream.linear.scatter [tilespmem:s22], [sflag:$0x2], $0x400, $0x38;
	[tilespmem:$0x18200] =	vst v63  }
0x144: {  	s21 =	simm.s32 $0x1A00;
	s25 =	sadd.s32 $0x180, s4  }
0x145: {  	[hbm4b:s25+s2] =	stream.linear.scatter [tilespmem:s21], [sflag:$0x2], $0x400, $0x38;
	[tilespmem:$0x18200] =	vst v63  }
0x146: {  	s31 =	sadd.s32 $0x200, s4;
	s24 =	simm.s32 $0x2200  }
0x147: {  	[hbm4b:s31+s2] =	stream.linear.scatter [tilespmem:s24], [sflag:$0x2], $0x400, $0x38;
	[tilespmem:$0x18200] =	vst v63  }
0x148: {  	s5 =	sadd.s32 $0x280, s4;
	s23 =	simm.s32 $0x2A00  }
0x149: {  	[hbm4b:s5+s2] =	stream.linear.scatter [tilespmem:s23], [sflag:$0x2], $0x400, $0x38;
	[tilespmem:$0x18200] =	vst v63  }
0x14a: {  	s6 =	sadd.s32 $0x300, s4;
	s25 =	simm.s32 $0x3200  }
0x14b: {  	[hbm4b:s6+s2] =	stream.linear.scatter [tilespmem:s25], [sflag:$0x2], $0x400, $0x38;
	[tilespmem:$0x18200] =	vst v63  }
0x14c: {  	s20 =	simm.s32 $0x3A00;
	s7 =	sadd.s32 $0x380, s4;
	s4 =	sld [smem:$0x7F5]  }
0x14d: {  	[hbm4b:s7+s2] =	stream.linear.scatter [tilespmem:s20], [sflag:$0x2], $0x400, $0x38;
	[tilespmem:$0x18200] =	vst v63  }
0x14e: {  	s5 =	simm.s32 $0x600  }
0x14f: {  	[hbm4b:s4+s2] =	stream.linear.scatter [tilespmem:s5], [sflag:$0x2], $0x400, $0x38;
	[tilespmem:$0x18200] =	vst v63  }
0x150: {  	s8 =	sadd.s32 $0x80, s4;
	s31 =	simm.s32 $0xE00  }
0x151: {  	[hbm4b:s8+s2] =	stream.linear.scatter [tilespmem:s31], [sflag:$0x2], $0x400, $0x38;
	[tilespmem:$0x18200] =	vst v63  }
0x152: {  	s6 =	sadd.s32 $0x100, s4;
	s7 =	simm.s32 $0x1600  }
0x153: {  	[hbm4b:s6+s2] =	stream.linear.scatter [tilespmem:s7], [sflag:$0x2], $0x400, $0x38;
	[tilespmem:$0x18200] =	vst v63  }
0x154: {  	s8 =	sadd.s32 $0x180, s4;
	s31 =	simm.s32 $0x1E00  }
0x155: {  	[hbm4b:s8+s2] =	stream.linear.scatter [tilespmem:s31], [sflag:$0x2], $0x400, $0x38;
	[tilespmem:$0x18200] =	vst v63  }
0x156: {  	s6 =	sadd.s32 $0x200, s4;
	s7 =	simm.s32 $0x2600  }
0x157: {  	[hbm4b:s6+s2] =	stream.linear.scatter [tilespmem:s7], [sflag:$0x2], $0x400, $0x38;
	[tilespmem:$0x18200] =	vst v63  }
0x158: {  	s8 =	sadd.s32 $0x280, s4;
	s31 =	simm.s32 $0x2E00  }
0x159: {  	[hbm4b:s8+s2] =	stream.linear.scatter [tilespmem:s31], [sflag:$0x2], $0x400, $0x38;
	[tilespmem:$0x18200] =	vst v63  }
0x15a: {  	s5 =	sadd.s32 $0x300, s4;
	s6 =	simm.s32 $0x3600  }
0x15b: {  	[hbm4b:s5+s2] =	stream.linear.scatter [tilespmem:s6], [sflag:$0x2], $0x400, $0x38;
	[tilespmem:$0x18200] =	vst v63  }
0x15c: {  	s7 =	sadd.s32 $0x380, s4;
	s8 =	simm.s32 $0x3E00  }
0x15d: {  	[hbm4b:s7+s2] =	stream.linear.scatter [tilespmem:s8], [sflag:$0x2], $0x400, $0x38;
	[tilespmem:$0x18200] =	vst v63  }
0x15e: {  	_ =	swait.ge [sflag:s28], $0x2000  }
0x15f: {  	[sflag:s28] =	ssyncset.done $0x0  }
0x160: {  	[sflag:s28] =	ssyncadd.s32 $0xFFFFE000  }
0x161: {  	_ =	swait.ge [sflag:s28], $0x2000  }
0x162: {  	[sflag:s28] =	ssyncset.done $0x0  }
0x163: {  	[sflag:s28] =	ssyncadd.s32 $0xFFFFE000  }
0x164: {  	v3 =	vld [tilespmem:$0x180];
	_ =	sdelay $0x4  }
0x165: {  	v56 =	vshll.u32 v3, $0x1  }
0x166: {  	v3 =	vand.u32 $0x7, v3;
	v4 =	vand.u32 $0xFFFFFFF0, v56  }
0x167: {  	v3 =	vor.u32 v3, v4  }
0x168: {  	v4 =	vperm.xlane v3, v0;
	_ =	sdelay $0x1  }
0x169: {  	v3 =	vperm.xlane v3, v2;
	v4 =	vadd.s32 v1, v4;
	_ =	sdelay $0x1  }
0x16a: {  	v3 =	vadd.s32 v1, v3;
	_ =	sdelay $0x2  }
0x16b: {  	[tilespmem:s1], [sflag:$0x1] =	stream.indirect_vreg.gather [hbm4b:s3+s2], $0x80, v4, vm0, $0xb8;
	[tilespmem:$0x18200] =	vst v63  }
0x16c: {  	_ = 	snop  }
0x16d: {  	[tilespmem:s0], [sflag:$0x1] =	stream.indirect_vreg.gather [hbm4b:s3+s2], $0x80, v3, vm0, $0xb8;
	[tilespmem:$0x18200] =	vst v63  }
0x16e: {  	v3 =	vld [tilespmem:$0x190];
	_ =	sdelay $0x4  }
0x16f: {  	v57 =	vshll.u32 v3, $0x1  }
0x170: {  	v3 =	vand.u32 $0x7, v3;
	v4 =	vand.u32 $0xFFFFFFF0, v57  }
0x171: {  	v3 =	vor.u32 v3, v4  }
0x172: {  	v4 =	vperm.xlane v3, v0;
	_ =	sdelay $0x1  }
0x173: {  	v3 =	vperm.xlane v3, v2;
	v4 =	vadd.s32 v1, v4;
	_ =	sdelay $0x1  }
0x174: {  	v3 =	vadd.s32 v1, v3;
	_ =	sdelay $0x2  }
0x175: {  	[tilespmem:s22], [sflag:$0x1] =	stream.indirect_vreg.gather [hbm4b:s3+s2], $0x80, v4, vm0, $0xb8;
	[tilespmem:$0x18200] =	vst v63  }
0x176: {  	_ = 	snop  }
0x177: {  	[tilespmem:s21], [sflag:$0x1] =	stream.indirect_vreg.gather [hbm4b:s3+s2], $0x80, v3, vm0, $0xb8;
	[tilespmem:$0x18200] =	vst v63  }
0x178: {  	v3 =	vld [tilespmem:$0x1A0];
	_ =	sdelay $0x4  }
0x179: {  	v58 =	vshll.u32 v3, $0x1  }
0x17a: {  	v3 =	vand.u32 $0x7, v3;
	v4 =	vand.u32 $0xFFFFFFF0, v58  }
0x17b: {  	v3 =	vor.u32 v3, v4  }
0x17c: {  	v4 =	vperm.xlane v3, v0;
	_ =	sdelay $0x1  }
0x17d: {  	v3 =	vperm.xlane v3, v2;
	v4 =	vadd.s32 v1, v4;
	_ =	sdelay $0x1  }
0x17e: {  	v3 =	vadd.s32 v1, v3;
	_ =	sdelay $0x2  }
0x17f: {  	[tilespmem:s24], [sflag:$0x1] =	stream.indirect_vreg.gather [hbm4b:s3+s2], $0x80, v4, vm0, $0xb8;
	[tilespmem:$0x18200] =	vst v63  }
0x180: {  	_ = 	snop  }
0x181: {  	[tilespmem:s23], [sflag:$0x1] =	stream.indirect_vreg.gather [hbm4b:s3+s2], $0x80, v3, vm0, $0xb8;
	[tilespmem:$0x18200] =	vst v63  }
0x182: {  	v3 =	vld [tilespmem:$0x1B0];
	_ =	sdelay $0x4  }
0x183: {  	v59 =	vshll.u32 v3, $0x1  }
0x184: {  	v3 =	vand.u32 $0x7, v3;
	v4 =	vand.u32 $0xFFFFFFF0, v59  }
0x185: {  	v3 =	vor.u32 v3, v4  }
0x186: {  	v4 =	vperm.xlane v3, v0;
	_ =	sdelay $0x1  }
0x187: {  	v3 =	vperm.xlane v3, v2;
	v4 =	vadd.s32 v1, v4;
	_ =	sdelay $0x1  }
0x188: {  	v3 =	vadd.s32 v1, v3;
	_ =	sdelay $0x2  }
0x189: {  	[tilespmem:s25], [sflag:$0x1] =	stream.indirect_vreg.gather [hbm4b:s3+s2], $0x80, v4, vm0, $0xb8;
	[tilespmem:$0x18200] =	vst v63  }
0x18a: {  	_ = 	snop  }
0x18b: {  	[tilespmem:s20], [sflag:$0x1] =	stream.indirect_vreg.gather [hbm4b:s3+s2], $0x80, v3, vm0, $0xb8;
	[tilespmem:$0x18200] =	vst v63  }
0x18c: {  	_ =	swait.ge [sflag:s26], $0x4000  }
0x18d: {  	s6 =	sld [smem:$0x7F6]  }
0x18e: {  	[sflag:s26] =	ssyncset.done $0x0  }
0x18f: {  	s1 =	simm.s32 $0x4200;
	[sflag:s26] =	ssyncadd.s32 $0xFFFFC000  }
0x190: {  	[hbm4b:s6+s2] =	stream.linear.scatter [tilespmem:s1], [sflag:$0x2], $0x400, $0x38;
	[tilespmem:$0x18200] =	vst v63  }
0x191: {  	s0 =	simm.s32 $0x4A00;
	s31 =	sadd.s32 $0x80, s6  }
0x192: {  	[hbm4b:s31+s2] =	stream.linear.scatter [tilespmem:s0], [sflag:$0x2], $0x400, $0x38;
	[tilespmem:$0x18200] =	vst v63  }
0x193: {  	s25 =	simm.s32 $0x5200;
	s4 =	sadd.s32 $0x100, s6  }
0x194: {  	[hbm4b:s4+s2] =	stream.linear.scatter [tilespmem:s25], [sflag:$0x2], $0x400, $0x38;
	[tilespmem:$0x18200] =	vst v63  }
0x195: {  	s20 =	simm.s32 $0x5A00;
	s5 =	sadd.s32 $0x180, s6  }
0x196: {  	[hbm4b:s5+s2] =	stream.linear.scatter [tilespmem:s20], [sflag:$0x2], $0x400, $0x38;
	[tilespmem:$0x18200] =	vst v63  }
0x197: {  	s7 =	sadd.s32 $0x200, s6;
	s5 =	simm.s32 $0x6200  }
0x198: {  	[hbm4b:s7+s2] =	stream.linear.scatter [tilespmem:s5], [sflag:$0x2], $0x400, $0x38;
	[tilespmem:$0x18200] =	vst v63  }
0x199: {  	s8 =	sadd.s32 $0x280, s6;
	s4 =	simm.s32 $0x6A00  }
0x19a: {  	[hbm4b:s8+s2] =	stream.linear.scatter [tilespmem:s4], [sflag:$0x2], $0x400, $0x38;
	[tilespmem:$0x18200] =	vst v63  }
0x19b: {  	s21 =	sadd.s32 $0x300, s6;
	s7 =	simm.s32 $0x7200  }
0x19c: {  	[hbm4b:s21+s2] =	stream.linear.scatter [tilespmem:s7], [sflag:$0x2], $0x400, $0x38;
	[tilespmem:$0x18200] =	vst v63  }
0x19d: {  	s22 =	sadd.s32 $0x380, s6;
	s6 =	simm.s32 $0x7A00;
	s8 =	sld [smem:$0x7F7]  }
0x19e: {  	[hbm4b:s22+s2] =	stream.linear.scatter [tilespmem:s6], [sflag:$0x2], $0x400, $0x38;
	[tilespmem:$0x18200] =	vst v63  }
0x19f: {  	s23 =	simm.s32 $0x4600  }
0x1a0: {  	[hbm4b:s8+s2] =	stream.linear.scatter [tilespmem:s23], [sflag:$0x2], $0x400, $0x38;
	[tilespmem:$0x18200] =	vst v63  }
0x1a1: {  	s31 =	simm.s32 $0x4E00;
	s24 =	sadd.s32 $0x80, s8  }
0x1a2: {  	[hbm4b:s24+s2] =	stream.linear.scatter [tilespmem:s31], [sflag:$0x2], $0x400, $0x38;
	[tilespmem:$0x18200] =	vst v63  }
0x1a3: {  	s21 =	simm.s32 $0x5600;
	s22 =	sadd.s32 $0x100, s8  }
0x1a4: {  	[hbm4b:s22+s2] =	stream.linear.scatter [tilespmem:s21], [sflag:$0x2], $0x400, $0x38;
	[tilespmem:$0x18200] =	vst v63  }
0x1a5: {  	s23 =	sadd.s32 $0x180, s8;
	s22 =	simm.s32 $0x5E00  }
0x1a6: {  	[hbm4b:s23+s2] =	stream.linear.scatter [tilespmem:s22], [sflag:$0x2], $0x400, $0x38;
	[tilespmem:$0x18200] =	vst v63  }
0x1a7: {  	s24 =	sadd.s32 $0x200, s8;
	s23 =	simm.s32 $0x6600  }
0x1a8: {  	[hbm4b:s24+s2] =	stream.linear.scatter [tilespmem:s23], [sflag:$0x2], $0x400, $0x38;
	[tilespmem:$0x18200] =	vst v63  }
0x1a9: {  	s31 =	sadd.s32 $0x280, s8;
	s24 =	simm.s32 $0x6E00  }
0x1aa: {  	[hbm4b:s31+s2] =	stream.linear.scatter [tilespmem:s24], [sflag:$0x2], $0x400, $0x38;
	[tilespmem:$0x18200] =	vst v63  }
0x1ab: {  	s29 =	sadd.s32 $0x300, s8;
	s31 =	simm.s32 $0x7600  }
0x1ac: {  	[hbm4b:s29+s2] =	stream.linear.scatter [tilespmem:s31], [sflag:$0x2], $0x400, $0x38;
	[tilespmem:$0x18200] =	vst v63  }
0x1ad: {  	s31 =	sadd.s32 $0x380, s8;
	s8 =	simm.s32 $0x7E00  }
0x1ae: {  	[hbm4b:s31+s2] =	stream.linear.scatter [tilespmem:s8], [sflag:$0x2], $0x400, $0x38;
	[tilespmem:$0x18200] =	vst v63  }
0x1af: {  	_ =	swait.ge [sflag:s28], $0x2000  }
0x1b0: {  	[sflag:s28] =	ssyncset.done $0x0  }
0x1b1: {  	[sflag:s28] =	ssyncadd.s32 $0xFFFFE000  }
0x1b2: {  	_ =	swait.ge [sflag:s28], $0x2000  }
0x1b3: {  	[sflag:s28] =	ssyncset.done $0x0  }
0x1b4: {  	[sflag:s28] =	ssyncadd.s32 $0xFFFFE000  }
0x1b5: {  	v3 =	vld [tilespmem:$0x1C0];
	_ =	sdelay $0x4  }
0x1b6: {  	v60 =	vshll.u32 v3, $0x1  }
0x1b7: {  	v3 =	vand.u32 $0x7, v3;
	v4 =	vand.u32 $0xFFFFFFF0, v60  }
0x1b8: {  	v3 =	vor.u32 v3, v4  }
0x1b9: {  	v4 =	vperm.xlane v3, v0;
	_ =	sdelay $0x1  }
0x1ba: {  	v3 =	vperm.xlane v3, v2;
	v4 =	vadd.s32 v1, v4;
	_ =	sdelay $0x1  }
0x1bb: {  	v3 =	vadd.s32 v1, v3;
	_ =	sdelay $0x2  }
0x1bc: {  	[tilespmem:s1], [sflag:$0x1] =	stream.indirect_vreg.gather [hbm4b:s3+s2], $0x80, v4, vm0, $0xb8;
	[tilespmem:$0x18200] =	vst v63  }
0x1bd: {  	_ = 	snop  }
0x1be: {  	[tilespmem:s0], [sflag:$0x1] =	stream.indirect_vreg.gather [hbm4b:s3+s2], $0x80, v3, vm0, $0xb8;
	[tilespmem:$0x18200] =	vst v63  }
0x1bf: {  	v3 =	vld [tilespmem:$0x1D0];
	_ =	sdelay $0x4  }
0x1c0: {  	v61 =	vshll.u32 v3, $0x1  }
0x1c1: {  	v3 =	vand.u32 $0x7, v3;
	v4 =	vand.u32 $0xFFFFFFF0, v61  }
0x1c2: {  	v3 =	vor.u32 v3, v4  }
0x1c3: {  	v4 =	vperm.xlane v3, v0;
	_ =	sdelay $0x1  }
0x1c4: {  	v3 =	vperm.xlane v3, v2;
	v4 =	vadd.s32 v1, v4;
	_ =	sdelay $0x1  }
0x1c5: {  	v3 =	vadd.s32 v1, v3;
	_ =	sdelay $0x2  }
0x1c6: {  	[tilespmem:s25], [sflag:$0x1] =	stream.indirect_vreg.gather [hbm4b:s3+s2], $0x80, v4, vm0, $0xb8;
	[tilespmem:$0x18200] =	vst v63  }
0x1c7: {  	_ = 	snop  }
0x1c8: {  	[tilespmem:s20], [sflag:$0x1] =	stream.indirect_vreg.gather [hbm4b:s3+s2], $0x80, v3, vm0, $0xb8;
	[tilespmem:$0x18200] =	vst v63  }
0x1c9: {  	v3 =	vld [tilespmem:$0x1E0];
	_ =	sdelay $0x4  }
0x1ca: {  	v62 =	vshll.u32 v3, $0x1  }
0x1cb: {  	v3 =	vand.u32 $0x7, v3;
	v4 =	vand.u32 $0xFFFFFFF0, v62  }
0x1cc: {  	v3 =	vor.u32 v3, v4  }
0x1cd: {  	v4 =	vperm.xlane v3, v0;
	_ =	sdelay $0x1  }
0x1ce: {  	v3 =	vperm.xlane v3, v2;
	v4 =	vadd.s32 v1, v4;
	_ =	sdelay $0x1  }
0x1cf: {  	v3 =	vadd.s32 v1, v3;
	_ =	sdelay $0x2  }
0x1d0: {  	[tilespmem:s5], [sflag:$0x1] =	stream.indirect_vreg.gather [hbm4b:s3+s2], $0x80, v4, vm0, $0xb8;
	[tilespmem:$0x18200] =	vst v63  }
0x1d1: {  	_ = 	snop  }
0x1d2: {  	[tilespmem:s4], [sflag:$0x1] =	stream.indirect_vreg.gather [hbm4b:s3+s2], $0x80, v3, vm0, $0xb8;
	[tilespmem:$0x18200] =	vst v63  }
0x1d3: {  	v3 =	vld [tilespmem:$0x1F0];
	_ =	sdelay $0x4  }
0x1d4: {  	v63 =	vshll.u32 v3, $0x1  }
0x1d5: {  	v3 =	vand.u32 $0x7, v3;
	v4 =	vand.u32 $0xFFFFFFF0, v63  }
0x1d6: {  	v3 =	vor.u32 v3, v4  }
0x1d7: {  	v4 =	vperm.xlane v3, v0;
	_ =	sdelay $0x1  }
0x1d8: {  	v3 =	vperm.xlane v3, v2;
	v4 =	vadd.s32 v1, v4;
	_ =	sdelay $0x1  }
0x1d9: {  	v3 =	vadd.s32 v1, v3;
	_ =	sdelay $0x2  }
0x1da: {  	[tilespmem:s7], [sflag:$0x1] =	stream.indirect_vreg.gather [hbm4b:s3+s2], $0x80, v4, vm0, $0xb8;
	[tilespmem:$0x18200] =	vst v63  }
0x1db: {  	_ = 	snop  }
0x1dc: {  	[tilespmem:s6], [sflag:$0x1] =	stream.indirect_vreg.gather [hbm4b:s3+s2], $0x80, v3, vm0, $0xb8;
	[tilespmem:$0x18200] =	vst v63  }
0x1dd: {  	_ =	swait.ge [sflag:s26], $0x4000  }
0x1de: {  	s6 =	sld [smem:$0x7F8]  }
0x1df: {  	[sflag:s26] =	ssyncset.done $0x0  }
0x1e0: {  	s31 =	simm.s32 $0x8200;
	[sflag:s26] =	ssyncadd.s32 $0xFFFFC000  }
0x1e1: {  	[hbm4b:s6+s2] =	stream.linear.scatter [tilespmem:s31], [sflag:$0x2], $0x400, $0x38;
	[tilespmem:$0x18200] =	vst v63  }
0x1e2: {  	s7 =	sadd.s32 $0x80, s6;
	s31 =	simm.s32 $0x8A00  }
0x1e3: {  	[hbm4b:s7+s2] =	stream.linear.scatter [tilespmem:s31], [sflag:$0x2], $0x400, $0x38;
	[tilespmem:$0x18200] =	vst v63  }
0x1e4: {  	s7 =	sadd.s32 $0x100, s6;
	s31 =	simm.s32 $0x9200  }
0x1e5: {  	[hbm4b:s7+s2] =	stream.linear.scatter [tilespmem:s31], [sflag:$0x2], $0x400, $0x38;
	[tilespmem:$0x18200] =	vst v63  }
0x1e6: {  	s7 =	sadd.s32 $0x180, s6;
	s31 =	simm.s32 $0x9A00  }
0x1e7: {  	[hbm4b:s7+s2] =	stream.linear.scatter [tilespmem:s31], [sflag:$0x2], $0x400, $0x38;
	[tilespmem:$0x18200] =	vst v63  }
0x1e8: {  	s7 =	sadd.s32 $0x200, s6;
	s31 =	simm.s32 $0xA200  }
0x1e9: {  	[hbm4b:s7+s2] =	stream.linear.scatter [tilespmem:s31], [sflag:$0x2], $0x400, $0x38;
	[tilespmem:$0x18200] =	vst v63  }
0x1ea: {  	s7 =	sadd.s32 $0x280, s6;
	s31 =	simm.s32 $0xAA00  }
0x1eb: {  	[hbm4b:s7+s2] =	stream.linear.scatter [tilespmem:s31], [sflag:$0x2], $0x400, $0x38;
	[tilespmem:$0x18200] =	vst v63  }
0x1ec: {  	s31 =	sadd.s32 $0x300, s6  }
0x1ed: {  	[hbm4b:s31+s2] =	stream.linear.scatter [tilespmem:s30], [sflag:$0x2], $0x400, $0x38;
	[tilespmem:$0x18200] =	vst v63  }
0x1ee: {  	s7 =	sadd.s32 $0x380, s6;
	s31 =	simm.s32 $0xBA00  }
0x1ef: {  	[hbm4b:s7+s2] =	stream.linear.scatter [tilespmem:s31], [sflag:$0x2], $0x400, $0x38;
	[tilespmem:$0x18200] =	vst v63  }
0x1f0: {  	s30 =	rddreg [dreg:$0x5]  }
0x1f1: {  	[hbm4b:s9+s2] =	stream.linear.scatter [tilespmem:s30], [sflag:$0x2], $0x400, $0x38;
	[tilespmem:$0x18200] =	vst v63  }
0x1f2: {  	s6 =	sadd.s32 $0x80, s9;
	s7 =	rddreg [dreg:$0x6]  }
0x1f3: {  	[hbm4b:s6+s2] =	stream.linear.scatter [tilespmem:s7], [sflag:$0x2], $0x400, $0x38;
	[tilespmem:$0x18200] =	vst v63  }
0x1f4: {  	s31 =	rddreg [dreg:$0x7];
	s7 =	sadd.s32 $0x100, s9  }
0x1f5: {  	[hbm4b:s7+s2] =	stream.linear.scatter [tilespmem:s31], [sflag:$0x2], $0x400, $0x38;
	[tilespmem:$0x18200] =	vst v63  }
0x1f6: {  	s6 =	rddreg [dreg:$0x8];
	s7 =	sadd.s32 $0x180, s9  }
0x1f7: {  	[hbm4b:s7+s2] =	stream.linear.scatter [tilespmem:s6], [sflag:$0x2], $0x400, $0x38;
	[tilespmem:$0x18200] =	vst v63  }
0x1f8: {  	s31 =	rddreg [dreg:$0x9];
	s6 =	sadd.s32 $0x200, s9  }
0x1f9: {  	[hbm4b:s6+s2] =	stream.linear.scatter [tilespmem:s31], [sflag:$0x2], $0x400, $0x38;
	[tilespmem:$0x18200] =	vst v63  }
0x1fa: {  	s7 =	rddreg [dreg:$0xa];
	s6 =	sadd.s32 $0x280, s9  }
0x1fb: {  	[hbm4b:s6+s2] =	stream.linear.scatter [tilespmem:s7], [sflag:$0x2], $0x400, $0x38;
	[tilespmem:$0x18200] =	vst v63  }
0x1fc: {  	s31 =	rddreg [dreg:$0xb];
	s7 =	sadd.s32 $0x300, s9  }
0x1fd: {  	[hbm4b:s7+s2] =	stream.linear.scatter [tilespmem:s31], [sflag:$0x2], $0x400, $0x38;
	[tilespmem:$0x18200] =	vst v63  }
0x1fe: {  	s6 =	rddreg [dreg:$0xc];
	s7 =	sadd.s32 $0x380, s9  }
0x1ff: {  	[hbm4b:s7+s2] =	stream.linear.scatter [tilespmem:s6], [sflag:$0x2], $0x400, $0x38;
	[tilespmem:$0x18200] =	vst v63  }
0x200: {  	_ =	swait.ge [sflag:s26], $0x4000  }
0x201: {  	[sflag:s26] =	ssyncset.done $0x0  }
0x202: {  	s31 =	simm.s32 $0xC200;
	[sflag:s26] =	ssyncadd.s32 $0xFFFFC000  }
0x203: {  	[hbm4b:s10+s2] =	stream.linear.scatter [tilespmem:s31], [sflag:$0x2], $0x400, $0x38;
	[tilespmem:$0x18200] =	vst v63  }
0x204: {  	s6 =	sadd.s32 $0x80, s10;
	s7 =	simm.s32 $0xCA00  }
0x205: {  	[hbm4b:s6+s2] =	stream.linear.scatter [tilespmem:s7], [sflag:$0x2], $0x400, $0x38;
	[tilespmem:$0x18200] =	vst v63  }
0x206: {  	s30 =	sadd.s32 $0x100, s10;
	s31 =	simm.s32 $0xD200  }
0x207: {  	[hbm4b:s30+s2] =	stream.linear.scatter [tilespmem:s31], [sflag:$0x2], $0x400, $0x38;
	[tilespmem:$0x18200] =	vst v63  }
0x208: {  	s6 =	sadd.s32 $0x180, s10;
	s7 =	simm.s32 $0xDA00  }
0x209: {  	[hbm4b:s6+s2] =	stream.linear.scatter [tilespmem:s7], [sflag:$0x2], $0x400, $0x38;
	[tilespmem:$0x18200] =	vst v63  }
0x20a: {  	s30 =	sadd.s32 $0x200, s10;
	s31 =	simm.s32 $0xE200  }
0x20b: {  	[hbm4b:s30+s2] =	stream.linear.scatter [tilespmem:s31], [sflag:$0x2], $0x400, $0x38;
	[tilespmem:$0x18200] =	vst v63  }
0x20c: {  	s6 =	sadd.s32 $0x280, s10;
	s7 =	simm.s32 $0xEA00  }
0x20d: {  	[hbm4b:s6+s2] =	stream.linear.scatter [tilespmem:s7], [sflag:$0x2], $0x400, $0x38;
	[tilespmem:$0x18200] =	vst v63  }
0x20e: {  	s30 =	sadd.s32 $0x300, s10;
	s31 =	simm.s32 $0xF200  }
0x20f: {  	[hbm4b:s30+s2] =	stream.linear.scatter [tilespmem:s31], [sflag:$0x2], $0x400, $0x38;
	[tilespmem:$0x18200] =	vst v63  }
0x210: {  	s7 =	sadd.s32 $0x380, s10;
	s31 =	simm.s32 $0xFA00  }
0x211: {  	[hbm4b:s7+s2] =	stream.linear.scatter [tilespmem:s31], [sflag:$0x2], $0x400, $0x38;
	[tilespmem:$0x18200] =	vst v63  }
0x212: {  	s30 =	rddreg [dreg:$0xd]  }
0x213: {  	[hbm4b:s11+s2] =	stream.linear.scatter [tilespmem:s30], [sflag:$0x2], $0x400, $0x38;
	[tilespmem:$0x18200] =	vst v63  }
0x214: {  	s6 =	sadd.s32 $0x80, s11;
	s7 =	rddreg [dreg:$0xe]  }
0x215: {  	[hbm4b:s6+s2] =	stream.linear.scatter [tilespmem:s7], [sflag:$0x2], $0x400, $0x38;
	[tilespmem:$0x18200] =	vst v63  }
0x216: {  	s31 =	rddreg [dreg:$0xf];
	s7 =	sadd.s32 $0x100, s11  }
0x217: {  	[hbm4b:s7+s2] =	stream.linear.scatter [tilespmem:s31], [sflag:$0x2], $0x400, $0x38;
	[tilespmem:$0x18200] =	vst v63  }
0x218: {  	s6 =	rddreg [dreg:$0x10];
	s7 =	sadd.s32 $0x180, s11  }
0x219: {  	[hbm4b:s7+s2] =	stream.linear.scatter [tilespmem:s6], [sflag:$0x2], $0x400, $0x38;
	[tilespmem:$0x18200] =	vst v63  }
0x21a: {  	s31 =	rddreg [dreg:$0x11];
	s6 =	sadd.s32 $0x200, s11  }
0x21b: {  	[hbm4b:s6+s2] =	stream.linear.scatter [tilespmem:s31], [sflag:$0x2], $0x400, $0x38;
	[tilespmem:$0x18200] =	vst v63  }
0x21c: {  	s7 =	rddreg [dreg:$0x12];
	s6 =	sadd.s32 $0x280, s11  }
0x21d: {  	[hbm4b:s6+s2] =	stream.linear.scatter [tilespmem:s7], [sflag:$0x2], $0x400, $0x38;
	[tilespmem:$0x18200] =	vst v63  }
0x21e: {  	s31 =	rddreg [dreg:$0x13];
	s7 =	sadd.s32 $0x300, s11  }
0x21f: {  	[hbm4b:s7+s2] =	stream.linear.scatter [tilespmem:s31], [sflag:$0x2], $0x400, $0x38;
	[tilespmem:$0x18200] =	vst v63  }
0x220: {  	s6 =	rddreg [dreg:$0x14];
	s7 =	sadd.s32 $0x380, s11  }
0x221: {  	[hbm4b:s7+s2] =	stream.linear.scatter [tilespmem:s6], [sflag:$0x2], $0x400, $0x38;
	[tilespmem:$0x18200] =	vst v63  }
0x222: {  	_ =	swait.ge [sflag:s26], $0x4000  }
0x223: {  	[sflag:s26] =	ssyncset.done $0x0  }
0x224: {  	s31 =	simm.s32 $0x10200;
	[sflag:s26] =	ssyncadd.s32 $0xFFFFC000  }
0x225: {  	[hbm4b:s12+s2] =	stream.linear.scatter [tilespmem:s31], [sflag:$0x2], $0x400, $0x38;
	[tilespmem:$0x18200] =	vst v63  }
0x226: {  	s6 =	sadd.s32 $0x80, s12;
	s7 =	simm.s32 $0x10A00  }
0x227: {  	[hbm4b:s6+s2] =	stream.linear.scatter [tilespmem:s7], [sflag:$0x2], $0x400, $0x38;
	[tilespmem:$0x18200] =	vst v63  }
0x228: {  	s30 =	sadd.s32 $0x100, s12;
	s31 =	simm.s32 $0x11200  }
0x229: {  	[hbm4b:s30+s2] =	stream.linear.scatter [tilespmem:s31], [sflag:$0x2], $0x400, $0x38;
	[tilespmem:$0x18200] =	vst v63  }
0x22a: {  	s6 =	sadd.s32 $0x180, s12;
	s7 =	simm.s32 $0x11A00  }
0x22b: {  	[hbm4b:s6+s2] =	stream.linear.scatter [tilespmem:s7], [sflag:$0x2], $0x400, $0x38;
	[tilespmem:$0x18200] =	vst v63  }
0x22c: {  	s30 =	sadd.s32 $0x200, s12;
	s31 =	simm.s32 $0x12200  }
0x22d: {  	[hbm4b:s30+s2] =	stream.linear.scatter [tilespmem:s31], [sflag:$0x2], $0x400, $0x38;
	[tilespmem:$0x18200] =	vst v63  }
0x22e: {  	s6 =	sadd.s32 $0x280, s12;
	s7 =	simm.s32 $0x12A00  }
0x22f: {  	[hbm4b:s6+s2] =	stream.linear.scatter [tilespmem:s7], [sflag:$0x2], $0x400, $0x38;
	[tilespmem:$0x18200] =	vst v63  }
0x230: {  	s30 =	sadd.s32 $0x300, s12;
	s31 =	simm.s32 $0x13200  }
0x231: {  	[hbm4b:s30+s2] =	stream.linear.scatter [tilespmem:s31], [sflag:$0x2], $0x400, $0x38;
	[tilespmem:$0x18200] =	vst v63  }
0x232: {  	s7 =	sadd.s32 $0x380, s12;
	s31 =	simm.s32 $0x13A00  }
0x233: {  	[hbm4b:s7+s2] =	stream.linear.scatter [tilespmem:s31], [sflag:$0x2], $0x400, $0x38;
	[tilespmem:$0x18200] =	vst v63  }
0x234: {  	s30 =	rddreg [dreg:$0x15]  }
0x235: {  	[hbm4b:s13+s2] =	stream.linear.scatter [tilespmem:s30], [sflag:$0x2], $0x400, $0x38;
	[tilespmem:$0x18200] =	vst v63  }
0x236: {  	s6 =	sadd.s32 $0x80, s13;
	s7 =	rddreg [dreg:$0x16]  }
0x237: {  	[hbm4b:s6+s2] =	stream.linear.scatter [tilespmem:s7], [sflag:$0x2], $0x400, $0x38;
	[tilespmem:$0x18200] =	vst v63  }
0x238: {  	s31 =	rddreg [dreg:$0x17];
	s7 =	sadd.s32 $0x100, s13  }
0x239: {  	[hbm4b:s7+s2] =	stream.linear.scatter [tilespmem:s31], [sflag:$0x2], $0x400, $0x38;
	[tilespmem:$0x18200] =	vst v63  }
0x23a: {  	s6 =	rddreg [dreg:$0x18];
	s7 =	sadd.s32 $0x180, s13  }
0x23b: {  	[hbm4b:s7+s2] =	stream.linear.scatter [tilespmem:s6], [sflag:$0x2], $0x400, $0x38;
	[tilespmem:$0x18200] =	vst v63  }
0x23c: {  	s31 =	rddreg [dreg:$0x19];
	s6 =	sadd.s32 $0x200, s13  }
0x23d: {  	[hbm4b:s6+s2] =	stream.linear.scatter [tilespmem:s31], [sflag:$0x2], $0x400, $0x38;
	[tilespmem:$0x18200] =	vst v63  }
0x23e: {  	s7 =	rddreg [dreg:$0x1a];
	s6 =	sadd.s32 $0x280, s13  }
0x23f: {  	[hbm4b:s6+s2] =	stream.linear.scatter [tilespmem:s7], [sflag:$0x2], $0x400, $0x38;
	[tilespmem:$0x18200] =	vst v63  }
0x240: {  	s31 =	rddreg [dreg:$0x1b];
	s7 =	sadd.s32 $0x300, s13  }
0x241: {  	[hbm4b:s7+s2] =	stream.linear.scatter [tilespmem:s31], [sflag:$0x2], $0x400, $0x38;
	[tilespmem:$0x18200] =	vst v63  }
0x242: {  	s6 =	rddreg [dreg:$0x1c];
	s7 =	sadd.s32 $0x380, s13  }
0x243: {  	[hbm4b:s7+s2] =	stream.linear.scatter [tilespmem:s6], [sflag:$0x2], $0x400, $0x38;
	[tilespmem:$0x18200] =	vst v63  }
0x244: {  	_ =	swait.ge [sflag:s26], $0x4000  }
0x245: {  	[sflag:s26] =	ssyncset.done $0x0  }
0x246: {  	s31 =	simm.s32 $0x14200;
	[sflag:s26] =	ssyncadd.s32 $0xFFFFC000  }
0x247: {  	[hbm4b:s14+s2] =	stream.linear.scatter [tilespmem:s31], [sflag:$0x2], $0x400, $0x38;
	[tilespmem:$0x18200] =	vst v63  }
0x248: {  	s6 =	sadd.s32 $0x80, s14;
	s7 =	simm.s32 $0x14A00  }
0x249: {  	[hbm4b:s6+s2] =	stream.linear.scatter [tilespmem:s7], [sflag:$0x2], $0x400, $0x38;
	[tilespmem:$0x18200] =	vst v63  }
0x24a: {  	s30 =	sadd.s32 $0x100, s14;
	s31 =	simm.s32 $0x15200  }
0x24b: {  	[hbm4b:s30+s2] =	stream.linear.scatter [tilespmem:s31], [sflag:$0x2], $0x400, $0x38;
	[tilespmem:$0x18200] =	vst v63  }
0x24c: {  	s6 =	sadd.s32 $0x180, s14;
	s7 =	simm.s32 $0x15A00  }
0x24d: {  	[hbm4b:s6+s2] =	stream.linear.scatter [tilespmem:s7], [sflag:$0x2], $0x400, $0x38;
	[tilespmem:$0x18200] =	vst v63  }
0x24e: {  	s30 =	sadd.s32 $0x200, s14;
	s31 =	simm.s32 $0x16200  }
0x24f: {  	[hbm4b:s30+s2] =	stream.linear.scatter [tilespmem:s31], [sflag:$0x2], $0x400, $0x38;
	[tilespmem:$0x18200] =	vst v63  }
0x250: {  	s6 =	sadd.s32 $0x280, s14;
	s7 =	simm.s32 $0x16A00  }
0x251: {  	[hbm4b:s6+s2] =	stream.linear.scatter [tilespmem:s7], [sflag:$0x2], $0x400, $0x38;
	[tilespmem:$0x18200] =	vst v63  }
0x252: {  	s30 =	sadd.s32 $0x300, s14;
	s31 =	simm.s32 $0x17200  }
0x253: {  	[hbm4b:s30+s2] =	stream.linear.scatter [tilespmem:s31], [sflag:$0x2], $0x400, $0x38;
	[tilespmem:$0x18200] =	vst v63  }
0x254: {  	s7 =	sadd.s32 $0x380, s14;
	s30 =	rddreg [dreg:$0x1d];
	s31 =	simm.s32 $0x17A00  }
0x255: {  	[hbm4b:s7+s2] =	stream.linear.scatter [tilespmem:s31], [sflag:$0x2], $0x400, $0x38;
	[tilespmem:$0x18200] =	vst v63  }
0x256: {  	s7 =	rddreg [dreg:$0x1e]  }
0x257: {  	[hbm4b:s15+s2] =	stream.linear.scatter [tilespmem:s30], [sflag:$0x2], $0x400, $0x38;
	[tilespmem:$0x18200] =	vst v63  }
0x258: {  	s6 =	sadd.s32 $0x80, s15;
	s31 =	rddreg [dreg:$0x1f]  }
0x259: {  	[hbm4b:s6+s2] =	stream.linear.scatter [tilespmem:s7], [sflag:$0x2], $0x400, $0x38;
	[tilespmem:$0x18200] =	vst v63  }
0x25a: {  	s7 =	sadd.s32 $0x100, s15;
	s6 =	sld [smem:$0x7F9]  }
0x25b: {  	[hbm4b:s7+s2] =	stream.linear.scatter [tilespmem:s31], [sflag:$0x2], $0x400, $0x38;
	[tilespmem:$0x18200] =	vst v63  }
0x25c: {  	s7 =	sadd.s32 $0x180, s15;
	s31 =	sld [smem:$0x7FA]  }
0x25d: {  	[hbm4b:s7+s2] =	stream.linear.scatter [tilespmem:s6], [sflag:$0x2], $0x400, $0x38;
	[tilespmem:$0x18200] =	vst v63  }
0x25e: {  	s6 =	sadd.s32 $0x200, s15;
	s7 =	sld [smem:$0x7FB]  }
0x25f: {  	[hbm4b:s6+s2] =	stream.linear.scatter [tilespmem:s31], [sflag:$0x2], $0x400, $0x38;
	[tilespmem:$0x18200] =	vst v63  }
0x260: {  	s6 =	sadd.s32 $0x280, s15;
	s31 =	sld [smem:$0x7FC]  }
0x261: {  	[hbm4b:s6+s2] =	stream.linear.scatter [tilespmem:s7], [sflag:$0x2], $0x400, $0x38;
	[tilespmem:$0x18200] =	vst v63  }
0x262: {  	s7 =	sadd.s32 $0x300, s15;
	s6 =	sld [smem:$0x7FD]  }
0x263: {  	[hbm4b:s7+s2] =	stream.linear.scatter [tilespmem:s31], [sflag:$0x2], $0x400, $0x38;
	[tilespmem:$0x18200] =	vst v63  }
0x264: {  	s7 =	sadd.s32 $0x380, s15  }
0x265: {  	[hbm4b:s7+s2] =	stream.linear.scatter [tilespmem:s6], [sflag:$0x2], $0x400, $0x38;
	[tilespmem:$0x18200] =	vst v63  }
0x266: {  	_ =	swait.ge [sflag:s26], $0x4000  }
0x267: {  	[sflag:s26] =	ssyncset.done $0x0  }
0x268: {  	s31 =	simm.s32 $0x200;
	[sflag:s26] =	ssyncadd.s32 $0xFFFFC000  }
0x269: {  	[hbm4b:s16+s2] =	stream.linear.scatter [tilespmem:s31], [sflag:$0x2], $0x400, $0x38;
	[tilespmem:$0x18200] =	vst v63  }
0x26a: {  	s6 =	sadd.s32 $0x80, s16;
	s7 =	simm.s32 $0xA00  }
0x26b: {  	[hbm4b:s6+s2] =	stream.linear.scatter [tilespmem:s7], [sflag:$0x2], $0x400, $0x38;
	[tilespmem:$0x18200] =	vst v63  }
0x26c: {  	s30 =	sadd.s32 $0x100, s16;
	s31 =	simm.s32 $0x1200  }
0x26d: {  	[hbm4b:s30+s2] =	stream.linear.scatter [tilespmem:s31], [sflag:$0x2], $0x400, $0x38;
	[tilespmem:$0x18200] =	vst v63  }
0x26e: {  	s6 =	sadd.s32 $0x180, s16;
	s7 =	simm.s32 $0x1A00  }
0x26f: {  	[hbm4b:s6+s2] =	stream.linear.scatter [tilespmem:s7], [sflag:$0x2], $0x400, $0x38;
	[tilespmem:$0x18200] =	vst v63  }
0x270: {  	s30 =	sadd.s32 $0x200, s16;
	s31 =	simm.s32 $0x2200  }
0x271: {  	[hbm4b:s30+s2] =	stream.linear.scatter [tilespmem:s31], [sflag:$0x2], $0x400, $0x38;
	[tilespmem:$0x18200] =	vst v63  }
0x272: {  	s6 =	sadd.s32 $0x280, s16;
	s7 =	simm.s32 $0x2A00  }
0x273: {  	[hbm4b:s6+s2] =	stream.linear.scatter [tilespmem:s7], [sflag:$0x2], $0x400, $0x38;
	[tilespmem:$0x18200] =	vst v63  }
0x274: {  	s30 =	sadd.s32 $0x300, s16;
	s31 =	simm.s32 $0x3200  }
0x275: {  	[hbm4b:s30+s2] =	stream.linear.scatter [tilespmem:s31], [sflag:$0x2], $0x400, $0x38;
	[tilespmem:$0x18200] =	vst v63  }
0x276: {  	s7 =	sadd.s32 $0x380, s16;
	s30 =	simm.s32 $0x3A00  }
0x277: {  	[hbm4b:s7+s2] =	stream.linear.scatter [tilespmem:s30], [sflag:$0x2], $0x400, $0x38;
	[tilespmem:$0x18200] =	vst v63  }
0x278: {  	s31 =	simm.s32 $0x600  }
0x279: {  	[hbm4b:s17+s2] =	stream.linear.scatter [tilespmem:s31], [sflag:$0x2], $0x400, $0x38;
	[tilespmem:$0x18200] =	vst v63  }
0x27a: {  	s6 =	sadd.s32 $0x80, s17;
	s7 =	simm.s32 $0xE00  }
0x27b: {  	[hbm4b:s6+s2] =	stream.linear.scatter [tilespmem:s7], [sflag:$0x2], $0x400, $0x38;
	[tilespmem:$0x18200] =	vst v63  }
0x27c: {  	s30 =	sadd.s32 $0x100, s17;
	s31 =	simm.s32 $0x1600  }
0x27d: {  	[hbm4b:s30+s2] =	stream.linear.scatter [tilespmem:s31], [sflag:$0x2], $0x400, $0x38;
	[tilespmem:$0x18200] =	vst v63  }
0x27e: {  	s6 =	sadd.s32 $0x180, s17;
	s7 =	simm.s32 $0x1E00  }
0x27f: {  	[hbm4b:s6+s2] =	stream.linear.scatter [tilespmem:s7], [sflag:$0x2], $0x400, $0x38;
	[tilespmem:$0x18200] =	vst v63  }
0x280: {  	s30 =	sadd.s32 $0x200, s17;
	s31 =	simm.s32 $0x2600  }
0x281: {  	[hbm4b:s30+s2] =	stream.linear.scatter [tilespmem:s31], [sflag:$0x2], $0x400, $0x38;
	[tilespmem:$0x18200] =	vst v63  }
0x282: {  	s6 =	sadd.s32 $0x280, s17;
	s7 =	simm.s32 $0x2E00  }
0x283: {  	[hbm4b:s6+s2] =	stream.linear.scatter [tilespmem:s7], [sflag:$0x2], $0x400, $0x38;
	[tilespmem:$0x18200] =	vst v63  }
0x284: {  	s30 =	sadd.s32 $0x300, s17;
	s31 =	simm.s32 $0x3600  }
0x285: {  	[hbm4b:s30+s2] =	stream.linear.scatter [tilespmem:s31], [sflag:$0x2], $0x400, $0x38;
	[tilespmem:$0x18200] =	vst v63  }
0x286: {  	s7 =	sadd.s32 $0x380, s17;
	s30 =	simm.s32 $0x3E00  }
0x287: {  	[hbm4b:s7+s2] =	stream.linear.scatter [tilespmem:s30], [sflag:$0x2], $0x400, $0x38;
	[tilespmem:$0x18200] =	vst v63  }
0x288: {  	_ =	swait.ge [sflag:s26], $0x4000  }
0x289: {  	[sflag:s26] =	ssyncset.done $0x0  }
0x28a: {  	s31 =	simm.s32 $0x4200;
	[sflag:s26] =	ssyncadd.s32 $0xFFFFC000  }
0x28b: {  	[hbm4b:s18+s2] =	stream.linear.scatter [tilespmem:s31], [sflag:$0x2], $0x400, $0x38;
	[tilespmem:$0x18200] =	vst v63  }
0x28c: {  	s7 =	sadd.s32 $0x80, s18;
	s30 =	simm.s32 $0x4A00  }
0x28d: {  	[hbm4b:s7+s2] =	stream.linear.scatter [tilespmem:s30], [sflag:$0x2], $0x400, $0x38;
	[tilespmem:$0x18200] =	vst v63  }
0x28e: {  	s1 =	simm.s32 $0x5200;
	s31 =	sadd.s32 $0x100, s18  }
0x28f: {  	[hbm4b:s31+s2] =	stream.linear.scatter [tilespmem:s1], [sflag:$0x2], $0x400, $0x38;
	[tilespmem:$0x18200] =	vst v63  }
0x290: {  	s0 =	simm.s32 $0x5A00;
	s6 =	sadd.s32 $0x180, s18  }
0x291: {  	[hbm4b:s6+s2] =	stream.linear.scatter [tilespmem:s0], [sflag:$0x2], $0x400, $0x38;
	[tilespmem:$0x18200] =	vst v63  }
0x292: {  	s25 =	simm.s32 $0x6200;
	s7 =	sadd.s32 $0x200, s18  }
0x293: {  	[hbm4b:s7+s2] =	stream.linear.scatter [tilespmem:s25], [sflag:$0x2], $0x400, $0x38;
	[tilespmem:$0x18200] =	vst v63  }
0x294: {  	s20 =	simm.s32 $0x6A00;
	s30 =	sadd.s32 $0x280, s18  }
0x295: {  	[hbm4b:s30+s2] =	stream.linear.scatter [tilespmem:s20], [sflag:$0x2], $0x400, $0x38;
	[tilespmem:$0x18200] =	vst v63  }
0x296: {  	s5 =	simm.s32 $0x7200;
	s31 =	sadd.s32 $0x300, s18  }
0x297: {  	[hbm4b:s31+s2] =	stream.linear.scatter [tilespmem:s5], [sflag:$0x2], $0x400, $0x38;
	[tilespmem:$0x18200] =	vst v63  }
0x298: {  	s4 =	simm.s32 $0x7A00;
	s0 =	sadd.s32 $0x380, s18  }
0x299: {  	[hbm4b:s0+s2] =	stream.linear.scatter [tilespmem:s4], [sflag:$0x2], $0x400, $0x38;
	[tilespmem:$0x18200] =	vst v63  }
0x29a: {  	s5 =	simm.s32 $0x4600  }
0x29b: {  	[hbm4b:s19+s2] =	stream.linear.scatter [tilespmem:s5], [sflag:$0x2], $0x400, $0x38;
	[tilespmem:$0x18200] =	vst v63  }
0x29c: {  	s6 =	sadd.s32 $0x80, s19;
	s7 =	simm.s32 $0x4E00  }
0x29d: {  	[hbm4b:s6+s2] =	stream.linear.scatter [tilespmem:s7], [sflag:$0x2], $0x400, $0x38;
	[tilespmem:$0x18200] =	vst v63  }
0x29e: {  	s20 =	sadd.s32 $0x100, s19  }
0x29f: {  	[hbm4b:s20+s2] =	stream.linear.scatter [tilespmem:s21], [sflag:$0x2], $0x400, $0x38;
	[tilespmem:$0x18200] =	vst v63  }
0x2a0: {  	s21 =	sadd.s32 $0x180, s19  }
0x2a1: {  	[hbm4b:s21+s2] =	stream.linear.scatter [tilespmem:s22], [sflag:$0x2], $0x400, $0x38;
	[tilespmem:$0x18200] =	vst v63  }
0x2a2: {  	s22 =	sadd.s32 $0x200, s19  }
0x2a3: {  	[hbm4b:s22+s2] =	stream.linear.scatter [tilespmem:s23], [sflag:$0x2], $0x400, $0x38;
	[tilespmem:$0x18200] =	vst v63  }
0x2a4: {  	s23 =	sadd.s32 $0x280, s19  }
0x2a5: {  	[hbm4b:s23+s2] =	stream.linear.scatter [tilespmem:s24], [sflag:$0x2], $0x400, $0x38;
	[tilespmem:$0x18200] =	vst v63  }
0x2a6: {  	s25 =	sadd.s32 $0x300, s19;
	s30 =	simm.s32 $0x7600  }
0x2a7: {  	[hbm4b:s25+s2] =	stream.linear.scatter [tilespmem:s30], [sflag:$0x2], $0x400, $0x38;
	[tilespmem:$0x18200] =	vst v63  }
0x2a8: {  	s31 =	sadd.s32 $0x380, s19  }
0x2a9: {  	[hbm4b:s31+s2] =	stream.linear.scatter [tilespmem:s8], [sflag:$0x2], $0x400, $0x38;
	[tilespmem:$0x18200] =	vst v63  }
0x2aa: {  	s1 =	sld [smem:$0x7F3];
	_ =	swait.ge [sflag:s28], $0x2000  }
0x2ab: {  	[sflag:s28] =	ssyncset.done $0x0  }
0x2ac: {  	[sflag:s28] =	ssyncadd.s32 $0xFFFFE000  }
0x2ad: {  	_ =	swait.ge [sflag:s28], $0x2000  }
0x2ae: {  	[sflag:s28] =	ssyncset.done $0x0  }
0x2af: {  	[sflag:s28] =	ssyncadd.s32 $0xFFFFE000  }
0x2b0: {  	_ =	swait.ge [sflag:s28], $0x2000  }
0x2b1: {  	[sflag:s28] =	ssyncset.done $0x0  }
0x2b2: {  	[sflag:s28] =	ssyncadd.s32 $0xFFFFE000  }
0x2b3: {  	_ =	swait.ge [sflag:s28], $0x2000  }
0x2b4: {  	[sflag:s28] =	ssyncset.done $0x0  }
0x2b5: {  	[sflag:s28] =	ssyncadd.s32 $0xFFFFE000  }
0x2b6: {  	_ =	swait.ge [sflag:s28], $0x2000  }
0x2b7: {  	[sflag:s28] =	ssyncset.done $0x0  }
0x2b8: {  	[sflag:s28] =	ssyncadd.s32 $0xFFFFE000  }
0x2b9: {  	_ =	swait.ge [sflag:s28], $0x2000  }
0x2ba: {  	[sflag:s28] =	ssyncset.done $0x0  }
0x2bb: {  	[sflag:s28] =	ssyncadd.s32 $0xFFFFE000  }
0x2bc: {  	_ =	swait.ge [sflag:s28], $0x2000  }
0x2bd: {  	[sflag:s28] =	ssyncset.done $0x0  }
0x2be: {  	[sflag:s28] =	ssyncadd.s32 $0xFFFFE000  }
0x2bf: {  	_ =	swait.ge [sflag:s28], $0x2000  }
0x2c0: {  	[sflag:s28] =	ssyncset.done $0x0  }
0x2c1: {  	[sflag:s28] =	ssyncadd.s32 $0xFFFFE000  }
0x2c2: {  	_ =	swait.ge [sflag:s28], $0x2000  }
0x2c3: {  	[sflag:s28] =	ssyncset.done $0x0  }
0x2c4: {  	[sflag:s28] =	ssyncadd.s32 $0xFFFFE000  }
0x2c5: {  	_ =	swait.ge [sflag:s28], $0x2000  }
0x2c6: {  	[sflag:s28] =	ssyncset.done $0x0  }
0x2c7: {  	[sflag:s28] =	ssyncadd.s32 $0xFFFFE000  }
0x2c8: {  	p0 =	sne.s32 s1, $0x1;
	_ =	swait.ge [sflag:s28], $0x2000  }
.Ltmp0:
0x2c9: {  	[sflag:s28] =	ssyncset.done $0x0;
	(pc) =	sbr.rel @p0 .LBB2_1-.Ltmp0, $4  }
0x2ca: {  	[sflag:s28] =	ssyncadd.s32 $0xFFFFE000  }
0x2cb: {  	_ =	swait.ge [sflag:s28], $0x2000  }
0x2cc: {  	[sflag:s28] =	ssyncset.done $0x0  }
0x2cd: {  	s1 =	sadd.s32 $0xFFFFFFFF, s1;
	[sflag:s28] =	ssyncadd.s32 $0xFFFFE000  }
0x2ce: {  	_ =	sfence.sel $0x180000  }
0x2cf: {  	[bflag:$0x0] =	sbarrier.arrive $0xFFFF  }
0x2d0: {  	_ =	strace $0x90000047  }
0x2d1: {  	s0 =	stileid.u32;
	[bflag:$0x2] =	sbarrier.arrive $0xFFFF  }
0x2d2: {  	p0 =	sne.s32 s0, $0x0;
	s0 =	rddreg [dreg:$0x3]  }
0x2d3: {  	s0 =	sadd.s32 @!p0 $0x100000, s0  }
0x2d4: {  	[sflag:s0] =	ssyncadd.tile.s32 @!p0 $0x1;
	_ =	shalt  }
.Lfunc_end2:
_tile_overlayer_lowered:
.L_overlay_start_2:
0x2d5: {  	(tag) =	ssettag $0x2  }
0x2d6: {  	s0 =	rddreg [dreg:$0x0];
	s2 =	stileid.u32  }
0x2d7: {  	s1 =	rddreg [dreg:$0x1];
	p0 =	sne.s32 s2, $0x0  }
0x2d8: {  	s3 =	rddreg [dreg:$0x2];
	[bflag:$0x3] =	sbarrier.arrive $0xFFFF;
	s2 =	simm.s32 @!p0 $0x1C03  }
0x2d9: {  	[timem:s3], [sflag:s2] =	dma.local @!p0 [hbm:s0], s1  }
0x2da: {  	s0 =	simm.s32 @!p0 $0x3  }
0x2db: {  	_ =	swait.ge @!p0 [sflag:s0], s1  }
0x2dc: {  	s1 =	ssub.s32 @!p0 $0x0, s1;
	[sflag:s0] =	ssyncset.done @!p0 $0x0  }
0x2dd: {  	[sflag:s0] =	ssyncadd.s32 @!p0 s1  }
0x2de: {  	[bflag:$0x3] =	sbarrier.arrive $0xFFFF  }
0x2df: {  	_ =	shalt  }

</sc_bundles>
